<compile_context>
chip_gen: v7x
topology: tpu7x:2x2x1
jax: 0.10.2.dev20260603
libtpu: 0.0.44.dev20260713+nightly
codegen_flags: <defaults>
</compile_context>

<pallas_src>
import functools

import jax
import jax.numpy as jnp
from jax import lax
from jax.experimental import pallas as pl
from jax.experimental.pallas import tpu as pltpu
from jax.experimental.pallas import tpu_sc as plsc

_F32 = jnp.float32
_BF16 = jnp.bfloat16
_DIM = 64
_MD = 16
_EH = 258
_EHP = 384
_RI = 64


def _silu(x):
    h = 0.5 * x
    return h * jnp.tanh(h) + h


def _selu(x):
    alpha = 1.6732632423543772
    scale = 1.0507009873554805
    return scale * jnp.where(x > 0, x, alpha * (jnp.exp(x) - 1.0))


def _tok_gather_sc(table, idx):
    info = plsc.get_sparse_core_info()
    nc, ns = info.num_cores, info.num_subcores
    nw = nc * ns
    bt = idx.shape[0]
    d = table.shape[1]
    bpw = bt // nw
    mesh = plsc.VectorSubcoreMesh(core_axis_name="c", subcore_axis_name="s")

    @functools.partial(
        pl.kernel,
        mesh=mesh,
        out_type=jax.ShapeDtypeStruct((bt, d), _F32),
        scratch_types=[
            pltpu.VMEM((bpw,), jnp.int32),
            pltpu.VMEM((bpw, d), _F32),
            pltpu.SemaphoreType.DMA,
        ],
    )
    def k(table_hbm, idx_hbm, out_hbm, idx_v, rows_v, sem):
        wid = lax.axis_index("s") * nc + lax.axis_index("c")
        base = wid * bpw
        pltpu.sync_copy(idx_hbm.at[pl.ds(base, bpw)], idx_v)
        pltpu.async_copy(table_hbm.at[idx_v], rows_v, sem).wait()
        pltpu.sync_copy(rows_v, out_hbm.at[pl.ds(base, bpw)])

    return k(table, idx)


def _embed_body(tok_ref, pos_ref, co_ref, ca_ref, t_ref,
                tW1, tb1, tW2, tb2, tW3, tb3, eW1,
                h0_out, a_out, b_out, cr_out):
    x = t_ref[0] * tW1[...] + tb1[...]
    x = _selu(x)
    x = _selu(jnp.dot(x, tW2[...], preferred_element_type=_F32) + tb2[...])
    temb = jnp.dot(x, tW3[...], preferred_element_type=_F32) + tb3[...]
    h0 = tok_ref[0] + pos_ref[...] + temb
    h0_out[0] = h0
    a_out[0] = jnp.dot(
        h0, eW1[:_DIM, :], preferred_element_type=_F32).astype(_BF16)
    b_out[0] = jnp.dot(
        h0, eW1[_DIM:2 * _DIM, :], preferred_element_type=_F32).astype(_BF16)
    c3 = co_ref[0] + ca_ref[0]
    n = c3.shape[0]
    nrm = jnp.sum(c3 * c3, axis=-1, keepdims=True)
    cr_out[0] = jnp.concatenate(
        [c3, jnp.ones((n, 1), _F32), nrm, jnp.zeros((n, 3), _F32)], axis=-1)


def _embed_call(tok, pos, coors, ca_pos, time3,
                tW1, tb1, tW2, tb2, tW3, tb3, eW1):
    b, n, _ = tok.shape
    full = lambda blk: pl.BlockSpec(blk, lambda i: (i, 0, 0))
    wspec = lambda arr: pl.BlockSpec(arr.shape, lambda i: (0,) * arr.ndim)
    return pl.pallas_call(
        _embed_body,
        grid=(b,),
        in_specs=[
            full((1, n, _DIM)),
            wspec(pos),
            full((1, n, 3)),
            full((1, n, 3)),
            full((1, 1, 1)),
            wspec(tW1), wspec(tb1), wspec(tW2), wspec(tb2),
            wspec(tW3), wspec(tb3), wspec(eW1),
        ],
        out_specs=[
            full((1, n, _DIM)),
            full((1, n, _EH)),
            full((1, n, _EH)),
            full((1, n, 8)),
        ],
        out_shape=[
            jax.ShapeDtypeStruct((b, n, _DIM), _F32),
            jax.ShapeDtypeStruct((b, n, _EH), _BF16),
            jax.ShapeDtypeStruct((b, n, _EH), _BF16),
            jax.ShapeDtypeStruct((b, n, 8), _F32),
        ],
    )(tok, pos, coors, ca_pos, time3,
      tW1, tb1, tW2, tb2, tW3, tb3, eW1)


def _layer_body(h_ref, a_ref, b_ref, cr_ref,
                eW1, eb1, eW2, eb2, cW1, cb1, cW2, cb2, ng, nb,
                nW1, nb1, nW2, nb2, eW1n,
                h_out, cr_out, an_out, bn_out):
    i = pl.program_id(1)
    base = pl.multiple_of(i * _RI, _RI)
    hb = h_ref[0, pl.ds(base, _RI), :]
    ab = a_ref[0, pl.ds(base, _RI), :]
    crb = cr_ref[0, pl.ds(base, _RI), :]
    bf = b_ref[0]
    rows = cr_ref[0]
    n = bf.shape[0]
    p = _RI * n

    wd = eW1[2 * _DIM:2 * _DIM + 1, :]
    Wq = jnp.concatenate(
        [-2.0 * wd, -2.0 * wd, -2.0 * wd, eb1[...], wd, wd], axis=0)
    lane = lax.broadcasted_iota(jnp.int32, (1, 8), 1)
    ci_side = (crb + (lane == 5).astype(_F32))[:, :6]
    cj_side = jnp.concatenate(
        [rows[:, :4], jnp.ones((n, 1), _F32), rows[:, 4:5]], axis=-1)
    xp = (ci_side[:, None, :] * cj_side[None]).reshape(p, 6)
    q = jnp.dot(xp.astype(_BF16), Wq.astype(_BF16),
                preferred_element_type=_F32).astype(_BF16)

    u = ab[:, None, :] + bf[None]
    z = _silu(u.reshape(p, _EH) + q)
    m = _silu(jnp.dot(z, eW2[...].astype(_BF16),
                      preferred_element_type=_F32).astype(_BF16)
              + eb2[...].astype(_BF16))
    g = _silu(jnp.dot(m, cW1[...].astype(_BF16),
                      preferred_element_type=_F32).astype(_BF16)
              + cb1[...].astype(_BF16))
    cW2rep = jnp.broadcast_to(cW2[...].astype(_BF16), (_DIM, 8))
    w8 = (jnp.dot(g, cW2rep, preferred_element_type=_F32)
          + cb2[...]).astype(_BF16)

    r3 = jnp.broadcast_to(rows[None], (_RI, n, 8)).reshape(p, 8)
    e = w8 * r3.astype(_BF16)
    rowid = lax.broadcasted_iota(jnp.int32, (_RI, p), 0)
    colid = lax.broadcasted_iota(jnp.int32, (_RI, p), 1)
    sel = (lax.div(colid, jnp.int32(n)) == rowid).astype(_BF16)
    cmb = jnp.concatenate([m, e], axis=-1)
    s24 = jnp.dot(sel, cmb, preferred_element_type=_F32)
    m_i = s24[:, :_MD]
    te = s24[:, _MD:]
    scol = te[:, 3:4]
    c_new = crb[:, :3] * (1.0 + scol) - te[:, :3]
    nrm = jnp.sum(c_new * c_new, axis=-1, keepdims=True)
    cr_out[0] = jnp.concatenate(
        [c_new, jnp.ones((_RI, 1), _F32), nrm,
         jnp.zeros((_RI, 3), _F32)], axis=-1)

    mu = jnp.mean(hb, axis=-1, keepdims=True)
    var = jnp.mean((hb - mu) ** 2, axis=-1, keepdims=True)
    normed = (hb - mu) * lax.rsqrt(var + 1e-5) * ng[...] + nb[...]
    nin = jnp.concatenate([normed, m_i], axis=-1)
    hh = _silu(jnp.dot(nin, nW1[...], preferred_element_type=_F32) + nb1[...])
    h_new = jnp.dot(hh, nW2[...], preferred_element_type=_F32) + nb2[...] + hb
    h_out[0] = h_new

    an_out[0] = jnp.dot(
        h_new, eW1n[:_DIM, :], preferred_element_type=_F32).astype(_BF16)
    bn_out[0] = jnp.dot(
        h_new, eW1n[_DIM:2 * _DIM, :],
        preferred_element_type=_F32).astype(_BF16)


def _layer_call(h, a, bm, cr, weights):
    b, n, _ = h.shape
    nblk = n // _RI
    full = lambda blk: pl.BlockSpec(blk, lambda bb, ii: (bb, 0, 0))
    out = lambda blk: pl.BlockSpec(blk, lambda bb, ii: (bb, ii, 0))
    wspec = lambda arr: pl.BlockSpec(arr.shape, lambda bb, ii: (0,) * arr.ndim)
    return pl.pallas_call(
        _layer_body,
        grid=(b, nblk),
        in_specs=[
            full((1, n, _DIM)),
            full((1, n, _EH)),
            full((1, n, _EH)),
            full((1, n, 8)),
        ] + [wspec(wt) for wt in weights],
        out_specs=[
            out((1, _RI, _DIM)),
            out((1, _RI, 8)),
            out((1, _RI, _EH)),
            out((1, _RI, _EH)),
        ],
        out_shape=[
            jax.ShapeDtypeStruct((b, n, _DIM), _F32),
            jax.ShapeDtypeStruct((b, n, 8), _F32),
            jax.ShapeDtypeStruct((b, n, _EH), _BF16),
            jax.ShapeDtypeStruct((b, n, _EH), _BF16),
        ],
    )(h, a, bm, cr, *weights)


def _pad_lanes(x, width):
    return jnp.pad(x, ((0, 0), (0, width - x.shape[1])))


def kernel(feats, coors, ca_pos, time, params):
    b, n = feats.shape
    pr = params
    depth = len(pr['layers'])

    tok_table = _pad_lanes(pr['tok_emb'].astype(_F32), 128)
    tok = _tok_gather_sc(
        tok_table, feats.reshape(-1).astype(jnp.int32)
    )[:, :_DIM].reshape(b, n, _DIM)

    h, a, bm, cr = _embed_call(
        tok, pr['pos_emb'][:n], coors, ca_pos, time.reshape(b, 1, 1),
        pr['tW1'], pr['tb1'][None], pr['tW2'], pr['tb2'][None],
        pr['tW3'], pr['tb3'][None],
        pr['layers'][0]['eW1'])

    for l in range(depth):
        cur = pr['layers'][l]
        nxt = pr['layers'][min(l + 1, depth - 1)]
        weights = [
            cur['eW1'], cur['eb1'][None], cur['eW2'], cur['eb2'][None],
            cur['cW1'], cur['cb1'][None], cur['cW2'], cur['cb2'][None],
            cur['ng'][None], cur['nb'][None],
            cur['nW1'], cur['nb1'][None], cur['nW2'], cur['nb2'][None],
            nxt['eW1'],
        ]
        h, cr, a, bm = _layer_call(h, a, bm, cr, weights)

    return h, cr[..., :3]

# --- scband reference (transcript-rebuilt; emitter-appended) ---
"""Pipeline reference for scband-egnn-network-time-37048387895570 (READ-ONLY COPY).

The authoritative reference and input builder live on the scoring server;
editing this copy changes nothing except your own understanding.
"""

import jax, jax.numpy as jnp
import numpy as np

B, N = 2, 256
DIM = 64
M_DIM = 16
DEPTH = 2
N_TOK = 21
N_POS = 512
TIME_DIM = 64
EDGE_IN = 2 * DIM + 1  # 129
EDGE_HID = EDGE_IN * 2  # 258


def _layernorm(x, g, b, eps=1e-5):
    mu = x.mean(-1, keepdims=True)
    var = ((x - mu) ** 2).mean(-1, keepdims=True)
    return (x - mu) / jnp.sqrt(var + eps) * g + b


def _egnn_layer(h, coors, p):
    b, n, d = h.shape
    rel_coors = coors[:, :, None, :] - coors[:, None, :, :]
    rel_dist = (rel_coors ** 2).sum(-1, keepdims=True)
    fi = jnp.broadcast_to(h[:, :, None, :], (b, n, n, d))
    fj = jnp.broadcast_to(h[:, None, :, :], (b, n, n, d))
    edge_input = jnp.concatenate([fi, fj, rel_dist], axis=-1)
    m_ij = jax.nn.silu(jax.nn.silu(edge_input @ p['eW1'] + p['eb1']) @ p['eW2'] + p['eb2'])
    coor_w = (jax.nn.silu(m_ij @ p['cW1'] + p['cb1']) @ p['cW2'] + p['cb2'])[..., 0]
    coors_out = jnp.einsum('bij,bijc->bic', coor_w, rel_coors) + coors
    m_i = m_ij.sum(axis=-2)
    normed = _layernorm(h, p['ng'], p['nb'])
    node_in = jnp.concatenate([normed, m_i], axis=-1)
    h_out = jax.nn.silu(node_in @ p['nW1'] + p['nb1']) @ p['nW2'] + p['nb2'] + h
    return h_out, coors_out


def _make_params(key):
    ks = jax.random.split(key, 8 + DEPTH)
    s = 0.02
    params = {
        'tok_emb': jax.random.normal(ks[0], (N_TOK, DIM), jnp.float32) * s,
        'pos_emb': jax.random.normal(ks[1], (N_POS, DIM), jnp.float32) * s,
        'tW1': jax.random.normal(ks[2], (1, TIME_DIM), jnp.float32) * s,
        'tb1': jnp.zeros((TIME_DIM,), jnp.float32),
        'tW2': jax.random.normal(ks[3], (TIME_DIM, TIME_DIM), jnp.float32) * s,
        'tb2': jnp.zeros((TIME_DIM,), jnp.float32),
        'tW3': jax.random.normal(ks[4], (TIME_DIM, DIM), jnp.float32) * s,
        'tb3': jnp.zeros((DIM,), jnp.float32),
    }
    layers = []
    for i in range(DEPTH):
        lk = jax.random.split(ks[8 + i], 6)
        layers.append({
            'eW1': jax.random.normal(lk[0], (EDGE_IN, EDGE_HID), jnp.float32) * s,
            'eb1': jnp.zeros((EDGE_HID,), jnp.float32),
            'eW2': jax.random.normal(lk[1], (EDGE_HID, M_DIM), jnp.float32) * s,
            'eb2': jnp.zeros((M_DIM,), jnp.float32),
            'ng': jnp.ones((DIM,), jnp.float32),
            'nb': jnp.zeros((DIM,), jnp.float32),
            'nW1': jax.random.normal(lk[2], (DIM + M_DIM, DIM * 2), jnp.float32) * s,
            'nb1': jnp.zeros((DIM * 2,), jnp.float32),
            'nW2': jax.random.normal(lk[3], (DIM * 2, DIM), jnp.float32) * s,
            'nb2': jnp.zeros((DIM,), jnp.float32),
            'cW1': jax.random.normal(lk[4], (M_DIM, M_DIM * 4), jnp.float32) * s,
            'cb1': jnp.zeros((M_DIM * 4,), jnp.float32),
            'cW2': jax.random.normal(lk[5], (M_DIM * 4, 1), jnp.float32) * s,
            'cb2': jnp.zeros((1,), jnp.float32),
        })
    params['layers'] = layers
    return params


def setup_inputs(seed: int = 0) -> dict:
    key = jax.random.key(seed)
    k1, k2, k3, k4, k5 = jax.random.split(key, 5)
    return {
        'feats': jax.random.randint(k1, (B, N), 0, N_TOK, dtype=jnp.int64 if jax.config.jax_enable_x64 else jnp.int32).astype(jnp.int32),
        'coors': jax.random.normal(k2, (B, N, 3), jnp.float32),
        'ca_pos': jax.random.normal(k3, (B, N, 3), jnp.float32),
        'time': jax.random.uniform(k4, (B,), jnp.float32),
        'params': _make_params(k5),
    }


def reference(feats, coors, ca_pos, time, params):
    b, n = feats.shape
    h = params['tok_emb'][feats]
    h = h + params['pos_emb'][:n][None, :, :]
    t = jnp.tile(time[:, None], (1, n))[:, :, None]
    t = jax.nn.selu(t @ params['tW1'] + params['tb1'])
    t = jax.nn.selu(t @ params['tW2'] + params['tb2'])
    t = t @ params['tW3'] + params['tb3']
    h = h + t
    coors_real = coors + ca_pos
    for p in params['layers']:
        h, coors_real = _egnn_layer(h, coors_real, p)
    return h, coors_real

if __name__ == "__main__":
    import jax
    _d = setup_inputs()
    print(jax.jit(kernel)(*tuple(_d.values())))

</pallas_src>

<mosaic_0001>
#map = affine_map<(d0, d1) -> (0, 0)>
#map1 = affine_map<(d0, d1) -> (0)>
module attributes {stable_mosaic.version = 14 : i64} {
  func.func @k(%arg0: i32, %arg1: i32, %arg2: memref<21x128xf32, #tpu.memory_space<hbm>>, %arg3: memref<512xi32, #tpu.memory_space<hbm>>, %arg4: memref<512x128xf32, #tpu.memory_space<hbm>>, %arg5: memref<16xi32, #tpu.memory_space<vmem>>, %arg6: memref<16x128xf32, #tpu.memory_space<vmem>>, %arg7: memref<!tpu.dma_semaphore, #tpu.memory_space<semaphore_mem>>) attributes {dimension_semantics = [#tpu.dimension_semantics<core_parallel>, #tpu.dimension_semantics<subcore_parallel>], iteration_bounds = array<i64: 2, 16>, scalar_prefetch = 0 : i64, scratch_operands = 3 : i64, tpu.core_type = #tpu.core_type<sc_vector_subcore>, window_params = [{transform_indices = #map}, {transform_indices = #map1}, {transform_indices = #map}]} {
    %mul3A = arith.constant 2 : i32
    %mul3A_0 = arith.muli %arg1, %mul3A : i32
    %add3A = arith.addi %mul3A_0, %arg0 : i32
    %mul3A_1 = arith.constant 16 : i32
    %mul3A_2 = arith.muli %add3A, %mul3A_1 : i32
    "tpu.region"() ({
      %run_scoped3A = tpu.sem_alloc : memref<!tpu.dma_semaphore, #tpu.memory_space<semaphore_mem>>
      %dma_start3A_7 = tpu.memref_slice %arg3[%mul3A_2] : memref<512xi32, #tpu.memory_space<hbm>> -> memref<16xi32, #tpu.memory_space<hbm>>
      %dma_start3A_8 = tpu.memref_slice %arg3[%mul3A_2] : memref<512xi32, #tpu.memory_space<hbm>> -> memref<16xi32, #tpu.memory_space<hbm>>
      tpu.enqueue_dma source(%dma_start3A_8 : memref<16xi32, #tpu.memory_space<hbm>>) target(%arg5 : memref<16xi32, #tpu.memory_space<vmem>>) target_semaphore(%run_scoped3A : memref<!tpu.dma_semaphore, #tpu.memory_space<semaphore_mem>>)
      %dma_wait3A_9 = tpu.memref_slice %arg3[%mul3A_2] : memref<512xi32, #tpu.memory_space<hbm>> -> memref<16xi32, #tpu.memory_space<hbm>>
      %dma_wait3A_10 = tpu.memref_slice %arg3[%mul3A_2] : memref<512xi32, #tpu.memory_space<hbm>> -> memref<16xi32, #tpu.memory_space<hbm>>
      tpu.wait_dma2 semaphore(%run_scoped3A : memref<!tpu.dma_semaphore, #tpu.memory_space<semaphore_mem>>) src(%dma_wait3A_10 : memref<16xi32, #tpu.memory_space<hbm>>) dst(%arg5 : memref<16xi32, #tpu.memory_space<vmem>>)
      tpu.yield
    }) : () -> ()
    %dma_start3A = arith.constant 0 : i32
    %dma_start3A_3 = arith.constant 0 : i32
    %dma_start3A_4 = tpu.memref_slice %arg2[%dma_start3A, %dma_start3A_3] : memref<21x128xf32, #tpu.memory_space<hbm>> -> memref<21x128xf32, #tpu.memory_space<hbm>>
    tpu.enqueue_indirect_dma source(%dma_start3A_4 : memref<21x128xf32, #tpu.memory_space<hbm>>) target(%arg6 : memref<16x128xf32, #tpu.memory_space<vmem>>) offsets(%arg5 : memref<16xi32, #tpu.memory_space<vmem>>) semaphore(%arg7 : memref<!tpu.dma_semaphore, #tpu.memory_space<semaphore_mem>>)
    %dma_wait3A = arith.constant 0 : i32
    %dma_wait3A_5 = arith.constant 0 : i32
    %dma_wait3A_6 = tpu.memref_slice %arg2[%dma_wait3A, %dma_wait3A_5] : memref<21x128xf32, #tpu.memory_space<hbm>> -> memref<21x128xf32, #tpu.memory_space<hbm>>
    tpu.wait_indirect_dma semaphore(%arg7 : memref<!tpu.dma_semaphore, #tpu.memory_space<semaphore_mem>>) src(%dma_wait3A_6 : memref<21x128xf32, #tpu.memory_space<hbm>>) dst(%arg6 : memref<16x128xf32, #tpu.memory_space<vmem>>)
    "tpu.region"() ({
      %run_scoped3A = tpu.sem_alloc : memref<!tpu.dma_semaphore, #tpu.memory_space<semaphore_mem>>
      %dma_start3A_7 = arith.constant 0 : i32
      %dma_start3A_8 = tpu.memref_slice %arg4[%mul3A_2, %dma_start3A_7] : memref<512x128xf32, #tpu.memory_space<hbm>> -> memref<16x128xf32, #tpu.memory_space<hbm>>
      %dma_start3A_9 = arith.constant 0 : i32
      %dma_start3A_10 = tpu.memref_slice %arg4[%mul3A_2, %dma_start3A_9] : memref<512x128xf32, #tpu.memory_space<hbm>> -> memref<16x128xf32, #tpu.memory_space<hbm>>
      tpu.enqueue_dma source(%arg6 : memref<16x128xf32, #tpu.memory_space<vmem>>) target(%dma_start3A_10 : memref<16x128xf32, #tpu.memory_space<hbm>>) target_semaphore(%run_scoped3A : memref<!tpu.dma_semaphore, #tpu.memory_space<semaphore_mem>>)
      %dma_wait3A_11 = arith.constant 0 : i32
      %dma_wait3A_12 = tpu.memref_slice %arg4[%mul3A_2, %dma_wait3A_11] : memref<512x128xf32, #tpu.memory_space<hbm>> -> memref<16x128xf32, #tpu.memory_space<hbm>>
      %dma_wait3A_13 = arith.constant 0 : i32
      %dma_wait3A_14 = tpu.memref_slice %arg4[%mul3A_2, %dma_wait3A_13] : memref<512x128xf32, #tpu.memory_space<hbm>> -> memref<16x128xf32, #tpu.memory_space<hbm>>
      tpu.wait_dma2 semaphore(%run_scoped3A : memref<!tpu.dma_semaphore, #tpu.memory_space<semaphore_mem>>) src(%arg6 : memref<16x128xf32, #tpu.memory_space<vmem>>) dst(%dma_wait3A_14 : memref<16x128xf32, #tpu.memory_space<hbm>>)
      tpu.yield
    }) : () -> ()
    return
  }
}

module attributes {stable_mosaic.version = 14 : i64} {
  func.func @_embed_body(%arg0: i32, %arg1: memref<1x256x64xf32, #tpu.memory_space<vmem>>, %arg2: memref<256x64xf32, #tpu.memory_space<vmem>>, %arg3: memref<1x256x3xf32, #tpu.memory_space<vmem>>, %arg4: memref<1x256x3xf32, #tpu.memory_space<vmem>>, %arg5: memref<1x1x1xf32, #tpu.memory_space<vmem>>, %arg6: memref<1x64xf32, #tpu.memory_space<vmem>>, %arg7: memref<1x64xf32, #tpu.memory_space<vmem>>, %arg8: memref<64x64xf32, #tpu.memory_space<vmem>>, %arg9: memref<1x64xf32, #tpu.memory_space<vmem>>, %arg10: memref<64x64xf32, #tpu.memory_space<vmem>>, %arg11: memref<1x64xf32, #tpu.memory_space<vmem>>, %arg12: memref<129x258xf32, #tpu.memory_space<vmem>>, %arg13: memref<1x256x64xf32, #tpu.memory_space<vmem>>, %arg14: memref<1x256x258xbf16, #tpu.memory_space<vmem>>, %arg15: memref<1x256x258xbf16, #tpu.memory_space<vmem>>, %arg16: memref<1x256x8xf32, #tpu.memory_space<vmem>>) attributes {dimension_semantics = [#tpu.dimension_semantics<arbitrary>], iteration_bounds = array<i64: 2>, scalar_prefetch = 0 : i64, scratch_operands = 0 : i64, tpu.core_type = #tpu.core_type<tc>, window_params = [{transform_indices = @transform_0, window_bounds = array<i64: 1, 256, 64>}, {pipeline_mode = #tpu.pipeline_mode<synchronous>, transform_indices = @transform_1, window_bounds = array<i64: 256, 64>}, {transform_indices = @transform_2, window_bounds = array<i64: 1, 256, 3>}, {transform_indices = @transform_3, window_bounds = array<i64: 1, 256, 3>}, {transform_indices = @transform_4, window_bounds = array<i64: 1, 1, 1>}, {pipeline_mode = #tpu.pipeline_mode<synchronous>, transform_indices = @transform_5, window_bounds = array<i64: 1, 64>}, {pipeline_mode = #tpu.pipeline_mode<synchronous>, transform_indices = @transform_6, window_bounds = array<i64: 1, 64>}, {pipeline_mode = #tpu.pipeline_mode<synchronous>, transform_indices = @transform_7, window_bounds = array<i64: 64, 64>}, {pipeline_mode = #tpu.pipeline_mode<synchronous>, transform_indices = @transform_8, window_bounds = array<i64: 1, 64>}, {pipeline_mode = #tpu.pipeline_mode<synchronous>, transform_indices = @transform_9, window_bounds = array<i64: 64, 64>}, {pipeline_mode = #tpu.pipeline_mode<synchronous>, transform_indices = @transform_10, window_bounds = array<i64: 1, 64>}, {pipeline_mode = #tpu.pipeline_mode<synchronous>, transform_indices = @transform_11, window_bounds = array<i64: 129, 258>}, {transform_indices = @transform_12, window_bounds = array<i64: 1, 256, 64>}, {transform_indices = @transform_13, window_bounds = array<i64: 1, 256, 258>}, {transform_indices = @transform_14, window_bounds = array<i64: 1, 256, 258>}, {transform_indices = @transform_15, window_bounds = array<i64: 1, 256, 8>}]} {
    %get3A = arith.constant 0 : index
    %get3A_0 = arith.constant 0 : index
    %get3A_1 = arith.constant 0 : index
    %get3A_2 = vector.load %arg5[%get3A, %get3A_0, %get3A_1] : memref<1x1x1xf32, #tpu.memory_space<vmem>>, vector<1x1x1xf32>
    %get3A_3 = vector.shape_cast %get3A_2 : vector<1x1x1xf32> to vector<1x1xf32>
    %get3A_4 = arith.constant 0 : index
    %get3A_5 = arith.constant 0 : index
    %get3A_6 = vector.load %arg6[%get3A_4, %get3A_5] : memref<1x64xf32, #tpu.memory_space<vmem>>, vector<1x64xf32>
    %mul3A = vector.broadcast %get3A_3 : vector<1x1xf32> to vector<1x64xf32>
    %mul3A_7 = arith.mulf %mul3A, %get3A_6 : vector<1x64xf32>
    %get3A_8 = arith.constant 0 : index
    %get3A_9 = arith.constant 0 : index
    %get3A_10 = vector.load %arg7[%get3A_8, %get3A_9] : memref<1x64xf32, #tpu.memory_space<vmem>>, vector<1x64xf32>
    %add3A = arith.addf %mul3A_7, %get3A_10 : vector<1x64xf32>
    %gt3A = arith.constant 0.000000e+00 : f32
    %gt3A_11 = vector.broadcast %gt3A : f32 to vector<1x64xf32>
    %gt3A_12 = arith.cmpf ogt, %add3A, %gt3A_11 : vector<1x64xf32>
    %exp3A = math.exp %add3A : vector<1x64xf32>
    %sub3A = arith.constant 1.000000e+00 : f32
    %sub3A_13 = vector.broadcast %sub3A : f32 to vector<1x64xf32>
    %sub3A_14 = arith.subf %exp3A, %sub3A_13 : vector<1x64xf32>
    %mul3A_15 = arith.constant 1.67326319 : f32
    %mul3A_16 = vector.broadcast %mul3A_15 : f32 to vector<1x64xf32>
    %mul3A_17 = arith.mulf %mul3A_16, %sub3A_14 : vector<1x64xf32>
    %select_n3A = arith.select %gt3A_12, %add3A, %mul3A_17 : vector<1x64xi1>, vector<1x64xf32>
    %mul3A_18 = arith.constant 1.05070102 : f32
    %mul3A_19 = vector.broadcast %mul3A_18 : f32 to vector<1x64xf32>
    %mul3A_20 = arith.mulf %mul3A_19, %select_n3A : vector<1x64xf32>
    %get3A_21 = arith.constant 0 : index
    %get3A_22 = arith.constant 0 : index
    %get3A_23 = vector.load %arg8[%get3A_21, %get3A_22] : memref<64x64xf32, #tpu.memory_space<vmem>>, vector<64x64xf32>
    %dot_general3A = arith.constant dense<0.000000e+00> : vector<1x64xf32>
    %dot_general3A_24 = tpu.matmul %mul3A_20, %get3A_23, %dot_general3A {dimension_numbers = #tpu.dot_dimension_numbers<[1], [0], [0], [1], [0, 0, 1, 1], [], []>, transpose_lhs_hint = false} : vector<1x64xf32>, vector<64x64xf32>, vector<1x64xf32> -> vector<1x64xf32>
    %get3A_25 = arith.constant 0 : index
    %get3A_26 = arith.constant 0 : index
    %get3A_27 = vector.load %arg9[%get3A_25, %get3A_26] : memref<1x64xf32, #tpu.memory_space<vmem>>, vector<1x64xf32>
    %add3A_28 = arith.addf %dot_general3A_24, %get3A_27 : vector<1x64xf32>
    %gt3A_29 = arith.constant 0.000000e+00 : f32
    %gt3A_30 = vector.broadcast %gt3A_29 : f32 to vector<1x64xf32>
    %gt3A_31 = arith.cmpf ogt, %add3A_28, %gt3A_30 : vector<1x64xf32>
    %exp3A_32 = math.exp %add3A_28 : vector<1x64xf32>
    %sub3A_33 = arith.constant 1.000000e+00 : f32
    %sub3A_34 = vector.broadcast %sub3A_33 : f32 to vector<1x64xf32>
    %sub3A_35 = arith.subf %exp3A_32, %sub3A_34 : vector<1x64xf32>
    %mul3A_36 = arith.constant 1.67326319 : f32
    %mul3A_37 = vector.broadcast %mul3A_36 : f32 to vector<1x64xf32>
    %mul3A_38 = arith.mulf %mul3A_37, %sub3A_35 : vector<1x64xf32>
    %select_n3A_39 = arith.select %gt3A_31, %add3A_28, %mul3A_38 : vector<1x64xi1>, vector<1x64xf32>
    %mul3A_40 = arith.constant 1.05070102 : f32
    %mul3A_41 = vector.broadcast %mul3A_40 : f32 to vector<1x64xf32>
    %mul3A_42 = arith.mulf %mul3A_41, %select_n3A_39 : vector<1x64xf32>
    %get3A_43 = arith.constant 0 : index
    %get3A_44 = arith.constant 0 : index
    %get3A_45 = vector.load %arg10[%get3A_43, %get3A_44] : memref<64x64xf32, #tpu.memory_space<vmem>>, vector<64x64xf32>
    %dot_general3A_46 = arith.constant dense<0.000000e+00> : vector<1x64xf32>
    %dot_general3A_47 = tpu.matmul %mul3A_42, %get3A_45, %dot_general3A_46 {dimension_numbers = #tpu.dot_dimension_numbers<[1], [0], [0], [1], [0, 0, 1, 1], [], []>, transpose_lhs_hint = false} : vector<1x64xf32>, vector<64x64xf32>, vector<1x64xf32> -> vector<1x64xf32>
    %get3A_48 = arith.constant 0 : index
    %get3A_49 = arith.constant 0 : index
    %get3A_50 = vector.load %arg11[%get3A_48, %get3A_49] : memref<1x64xf32, #tpu.memory_space<vmem>>, vector<1x64xf32>
    %add3A_51 = arith.addf %dot_general3A_47, %get3A_50 : vector<1x64xf32>
    %get3A_52 = arith.constant 0 : index
    %get3A_53 = arith.constant 0 : index
    %get3A_54 = arith.constant 0 : index
    %get3A_55 = vector.load %arg1[%get3A_52, %get3A_53, %get3A_54] : memref<1x256x64xf32, #tpu.memory_space<vmem>>, vector<1x256x64xf32>
    %get3A_56 = vector.shape_cast %get3A_55 : vector<1x256x64xf32> to vector<256x64xf32>
    %get3A_57 = arith.constant 0 : index
    %get3A_58 = arith.constant 0 : index
    %get3A_59 = vector.load %arg2[%get3A_57, %get3A_58] : memref<256x64xf32, #tpu.memory_space<vmem>>, vector<256x64xf32>
    %add3A_60 = arith.addf %get3A_56, %get3A_59 : vector<256x64xf32>
    %add3A_61 = vector.broadcast %add3A_51 : vector<1x64xf32> to vector<256x64xf32>
    %add3A_62 = arith.addf %add3A_60, %add3A_61 : vector<256x64xf32>
    %swap3A = arith.constant 0 : index
    %swap3A_63 = arith.constant 0 : index
    %swap3A_64 = arith.constant 0 : index
    %swap3A_65 = vector.load %arg13[%swap3A, %swap3A_63, %swap3A_64] : memref<1x256x64xf32, #tpu.memory_space<vmem>>, vector<1x256x64xf32>
    %swap3A_66 = vector.shape_cast %swap3A_65 : vector<1x256x64xf32> to vector<256x64xf32>
    %swap3A_67 = vector.shape_cast %add3A_62 : vector<256x64xf32> to vector<1x256x64xf32>
    tpu.vector_store %arg13[%swap3A, %swap3A_63, %swap3A_64], %swap3A_67 {strides = array<i32>} : memref<1x256x64xf32, #tpu.memory_space<vmem>>, vector<1x256x64xf32>,
    %get3A_68 = arith.constant 0 : index
    %get3A_69 = arith.constant 0 : index
    %get3A_70 = vector.load %arg12[%get3A_68, %get3A_69] : memref<129x258xf32, #tpu.memory_space<vmem>>, vector<64x258xf32>
    %dot_general3A_71 = arith.constant dense<0.000000e+00> : vector<256x258xf32>
    %dot_general3A_72 = tpu.matmul %add3A_62, %get3A_70, %dot_general3A_71 {dimension_numbers = #tpu.dot_dimension_numbers<[1], [0], [0], [1], [0, 0, 1, 1], [], []>, transpose_lhs_hint = false} : vector<256x64xf32>, vector<64x258xf32>, vector<256x258xf32> -> vector<256x258xf32>
    %convert_element_type3A = arith.truncf %dot_general3A_72 : vector<256x258xf32> to vector<256x258xbf16>
    %swap3A_73 = arith.constant 0 : index
    %swap3A_74 = arith.constant 0 : index
    %swap3A_75 = arith.constant 0 : index
    %swap3A_76 = vector.load %arg14[%swap3A_73, %swap3A_74, %swap3A_75] : memref<1x256x258xbf16, #tpu.memory_space<vmem>>, vector<1x256x258xbf16>
    %swap3A_77 = vector.shape_cast %swap3A_76 : vector<1x256x258xbf16> to vector<256x258xbf16>
    %swap3A_78 = vector.shape_cast %convert_element_type3A : vector<256x258xbf16> to vector<1x256x258xbf16>
    tpu.vector_store %arg14[%swap3A_73, %swap3A_74, %swap3A_75], %swap3A_78 {strides = array<i32>} : memref<1x256x258xbf16, #tpu.memory_space<vmem>>, vector<1x256x258xbf16>,
    %get3A_79 = arith.constant 64 : index
    %get3A_80 = arith.constant 0 : index
    %get3A_81 = vector.load %arg12[%get3A_79, %get3A_80] : memref<129x258xf32, #tpu.memory_space<vmem>>, vector<64x258xf32>
    %dot_general3A_82 = arith.constant dense<0.000000e+00> : vector<256x258xf32>
    %dot_general3A_83 = tpu.matmul %add3A_62, %get3A_81, %dot_general3A_82 {dimension_numbers = #tpu.dot_dimension_numbers<[1], [0], [0], [1], [0, 0, 1, 1], [], []>, transpose_lhs_hint = false} : vector<256x64xf32>, vector<64x258xf32>, vector<256x258xf32> -> vector<256x258xf32>
    %convert_element_type3A_84 = arith.truncf %dot_general3A_83 : vector<256x258xf32> to vector<256x258xbf16>
    %swap3A_85 = arith.constant 0 : index
    %swap3A_86 = arith.constant 0 : index
    %swap3A_87 = arith.constant 0 : index
    %swap3A_88 = vector.load %arg15[%swap3A_85, %swap3A_86, %swap3A_87] : memref<1x256x258xbf16, #tpu.memory_space<vmem>>, vector<1x256x258xbf16>
    %swap3A_89 = vector.shape_cast %swap3A_88 : vector<1x256x258xbf16> to vector<256x258xbf16>
    %swap3A_90 = vector.shape_cast %convert_element_type3A_84 : vector<256x258xbf16> to vector<1x256x258xbf16>
    tpu.vector_store %arg15[%swap3A_85, %swap3A_86, %swap3A_87], %swap3A_90 {strides = array<i32>} : memref<1x256x258xbf16, #tpu.memory_space<vmem>>, vector<1x256x258xbf16>,
    %get3A_91 = arith.constant 0 : index
    %get3A_92 = arith.constant 0 : index
    %get3A_93 = arith.constant 0 : index
    %get3A_94 = vector.load %arg3[%get3A_91, %get3A_92, %get3A_93] : memref<1x256x3xf32, #tpu.memory_space<vmem>>, vector<1x256x3xf32>
    %get3A_95 = vector.shape_cast %get3A_94 : vector<1x256x3xf32> to vector<256x3xf32>
    %get3A_96 = arith.constant 0 : index
    %get3A_97 = arith.constant 0 : index
    %get3A_98 = arith.constant 0 : index
    %get3A_99 = vector.load %arg4[%get3A_96, %get3A_97, %get3A_98] : memref<1x256x3xf32, #tpu.memory_space<vmem>>, vector<1x256x3xf32>
    %get3A_100 = vector.shape_cast %get3A_99 : vector<1x256x3xf32> to vector<256x3xf32>
    %add3A_101 = arith.addf %get3A_95, %get3A_100 : vector<256x3xf32>
    %mul3A_102 = arith.mulf %add3A_101, %add3A_101 : vector<256x3xf32>
    %reduce_sum3A = arith.constant dense<0.000000e+00> : vector<256xf32>
    %reduce_sum3A_103 = vector.multi_reduction <add>, %mul3A_102, %reduce_sum3A [1] : vector<256x3xf32> to vector<256xf32>
    %broadcast_in_dim3A = vector.shape_cast %reduce_sum3A_103 : vector<256xf32> to vector<256x1xf32>
    %broadcast_in_dim3A_104 = arith.constant 1.000000e+00 : f32
    %broadcast_in_dim3A_105 = vector.broadcast %broadcast_in_dim3A_104 : f32 to vector<256x1xf32>
    %broadcast_in_dim3A_106 = arith.constant 0.000000e+00 : f32
    %broadcast_in_dim3A_107 = vector.broadcast %broadcast_in_dim3A_106 : f32 to vector<256x3xf32>
    %concatenate3A = tpu.concatenate %add3A_101, %broadcast_in_dim3A_105, %broadcast_in_dim3A, %broadcast_in_dim3A_107 in 1 : vector<256x3xf32>, vector<256x1xf32>, vector<256x1xf32>, vector<256x3xf32> -> vector<256x8xf32>
    %swap3A_108 = arith.constant 0 : index
    %swap3A_109 = arith.constant 0 : index
    %swap3A_110 = arith.constant 0 : index
    %swap3A_111 = vector.load %arg16[%swap3A_108, %swap3A_109, %swap3A_110] : memref<1x256x8xf32, #tpu.memory_space<vmem>>, vector<1x256x8xf32>
    %swap3A_112 = vector.shape_cast %swap3A_111 : vector<1x256x8xf32> to vector<256x8xf32>
    %swap3A_113 = vector.shape_cast %concatenate3A : vector<256x8xf32> to vector<1x256x8xf32>
    tpu.vector_store %arg16[%swap3A_108, %swap3A_109, %swap3A_110], %swap3A_113 {strides = array<i32>} : memref<1x256x8xf32, #tpu.memory_space<vmem>>, vector<1x256x8xf32>,
    return
  }
  func.func @transform_0(%arg0: i32) -> (i32, i32, i32) {
    %c0_i32 = arith.constant 0 : i32
    %c0_i32_0 = arith.constant 0 : i32
    %c0_i32_1 = arith.constant 0 : i32
    return %arg0, %c0_i32, %c0_i32_0 : i32, i32, i32
  }
  func.func @transform_1(%arg0: i32) -> (i32, i32) {
    %c0_i32 = arith.constant 0 : i32
    %c0_i32_0 = arith.constant 0 : i32
    %c0_i32_1 = arith.constant 0 : i32
    return %c0_i32, %c0_i32_0 : i32, i32
  }
  func.func @transform_2(%arg0: i32) -> (i32, i32, i32) {
    %c0_i32 = arith.constant 0 : i32
    %c0_i32_0 = arith.constant 0 : i32
    %c0_i32_1 = arith.constant 0 : i32
    return %arg0, %c0_i32, %c0_i32_0 : i32, i32, i32
  }
  func.func @transform_3(%arg0: i32) -> (i32, i32, i32) {
    %c0_i32 = arith.constant 0 : i32
    %c0_i32_0 = arith.constant 0 : i32
    %c0_i32_1 = arith.constant 0 : i32
    return %arg0, %c0_i32, %c0_i32_0 : i32, i32, i32
  }
  func.func @transform_4(%arg0: i32) -> (i32, i32, i32) {
    %c0_i32 = arith.constant 0 : i32
    %c0_i32_0 = arith.constant 0 : i32
    %c0_i32_1 = arith.constant 0 : i32
    return %arg0, %c0_i32, %c0_i32_0 : i32, i32, i32
  }
  func.func @transform_5(%arg0: i32) -> (i32, i32) {
    %c0_i32 = arith.constant 0 : i32
    %c0_i32_0 = arith.constant 0 : i32
    %c0_i32_1 = arith.constant 0 : i32
    return %c0_i32, %c0_i32_0 : i32, i32
  }
  func.func @transform_6(%arg0: i32) -> (i32, i32) {
    %c0_i32 = arith.constant 0 : i32
    %c0_i32_0 = arith.constant 0 : i32
    %c0_i32_1 = arith.constant 0 : i32
    return %c0_i32, %c0_i32_0 : i32, i32
  }
  func.func @transform_7(%arg0: i32) -> (i32, i32) {
    %c0_i32 = arith.constant 0 : i32
    %c0_i32_0 = arith.constant 0 : i32
    %c0_i32_1 = arith.constant 0 : i32
    return %c0_i32, %c0_i32_0 : i32, i32
  }
  func.func @transform_8(%arg0: i32) -> (i32, i32) {
    %c0_i32 = arith.constant 0 : i32
    %c0_i32_0 = arith.constant 0 : i32
    %c0_i32_1 = arith.constant 0 : i32
    return %c0_i32, %c0_i32_0 : i32, i32
  }
  func.func @transform_9(%arg0: i32) -> (i32, i32) {
    %c0_i32 = arith.constant 0 : i32
    %c0_i32_0 = arith.constant 0 : i32
    %c0_i32_1 = arith.constant 0 : i32
    return %c0_i32, %c0_i32_0 : i32, i32
  }
  func.func @transform_10(%arg0: i32) -> (i32, i32) {
    %c0_i32 = arith.constant 0 : i32
    %c0_i32_0 = arith.constant 0 : i32
    %c0_i32_1 = arith.constant 0 : i32
    return %c0_i32, %c0_i32_0 : i32, i32
  }
  func.func @transform_11(%arg0: i32) -> (i32, i32) {
    %c0_i32 = arith.constant 0 : i32
    %c0_i32_0 = arith.constant 0 : i32
    %c0_i32_1 = arith.constant 0 : i32
    return %c0_i32, %c0_i32_0 : i32, i32
  }
  func.func @transform_12(%arg0: i32) -> (i32, i32, i32) {
    %c0_i32 = arith.constant 0 : i32
    %c0_i32_0 = arith.constant 0 : i32
    %c0_i32_1 = arith.constant 0 : i32
    return %arg0, %c0_i32, %c0_i32_0 : i32, i32, i32
  }
  func.func @transform_13(%arg0: i32) -> (i32, i32, i32) {
    %c0_i32 = arith.constant 0 : i32
    %c0_i32_0 = arith.constant 0 : i32
    %c0_i32_1 = arith.constant 0 : i32
    return %arg0, %c0_i32, %c0_i32_0 : i32, i32, i32
  }
  func.func @transform_14(%arg0: i32) -> (i32, i32, i32) {
    %c0_i32 = arith.constant 0 : i32
    %c0_i32_0 = arith.constant 0 : i32
    %c0_i32_1 = arith.constant 0 : i32
    return %arg0, %c0_i32, %c0_i32_0 : i32, i32, i32
  }
  func.func @transform_15(%arg0: i32) -> (i32, i32, i32) {
    %c0_i32 = arith.constant 0 : i32
    %c0_i32_0 = arith.constant 0 : i32
    %c0_i32_1 = arith.constant 0 : i32
    return %arg0, %c0_i32, %c0_i32_0 : i32, i32, i32
  }
}

module attributes {stable_mosaic.version = 14 : i64} {
  func.func @_layer_body(%arg0: i32, %arg1: i32, %arg2: memref<1x256x64xf32, #tpu.memory_space<vmem>>, %arg3: memref<1x256x258xbf16, #tpu.memory_space<vmem>>, %arg4: memref<1x256x258xbf16, #tpu.memory_space<vmem>>, %arg5: memref<1x256x8xf32, #tpu.memory_space<vmem>>, %arg6: memref<129x258xf32, #tpu.memory_space<vmem>>, %arg7: memref<1x258xf32, #tpu.memory_space<vmem>>, %arg8: memref<258x16xf32, #tpu.memory_space<vmem>>, %arg9: memref<1x16xf32, #tpu.memory_space<vmem>>, %arg10: memref<16x64xf32, #tpu.memory_space<vmem>>, %arg11: memref<1x64xf32, #tpu.memory_space<vmem>>, %arg12: memref<64x1xf32, #tpu.memory_space<vmem>>, %arg13: memref<1x1xf32, #tpu.memory_space<vmem>>, %arg14: memref<1x64xf32, #tpu.memory_space<vmem>>, %arg15: memref<1x64xf32, #tpu.memory_space<vmem>>, %arg16: memref<80x128xf32, #tpu.memory_space<vmem>>, %arg17: memref<1x128xf32, #tpu.memory_space<vmem>>, %arg18: memref<128x64xf32, #tpu.memory_space<vmem>>, %arg19: memref<1x64xf32, #tpu.memory_space<vmem>>, %arg20: memref<129x258xf32, #tpu.memory_space<vmem>>, %arg21: memref<1x64x64xf32, #tpu.memory_space<vmem>>, %arg22: memref<1x64x8xf32, #tpu.memory_space<vmem>>, %arg23: memref<1x64x258xbf16, #tpu.memory_space<vmem>>, %arg24: memref<1x64x258xbf16, #tpu.memory_space<vmem>>) attributes {dimension_semantics = [#tpu.dimension_semantics<arbitrary>, #tpu.dimension_semantics<arbitrary>], iteration_bounds = array<i64: 2, 4>, scalar_prefetch = 0 : i64, scratch_operands = 0 : i64, tpu.core_type = #tpu.core_type<tc>, window_params = [{transform_indices = @transform_0, window_bounds = array<i64: 1, 256, 64>}, {transform_indices = @transform_1, window_bounds = array<i64: 1, 256, 258>}, {transform_indices = @transform_2, window_bounds = array<i64: 1, 256, 258>}, {transform_indices = @transform_3, window_bounds = array<i64: 1, 256, 8>}, {pipeline_mode = #tpu.pipeline_mode<synchronous>, transform_indices = @transform_4, window_bounds = array<i64: 129, 258>}, {pipeline_mode = #tpu.pipeline_mode<synchronous>, transform_indices = @transform_5, window_bounds = array<i64: 1, 258>}, {pipeline_mode = #tpu.pipeline_mode<synchronous>, transform_indices = @transform_6, window_bounds = array<i64: 258, 16>}, {pipeline_mode = #tpu.pipeline_mode<synchronous>, transform_indices = @transform_7, window_bounds = array<i64: 1, 16>}, {pipeline_mode = #tpu.pipeline_mode<synchronous>, transform_indices = @transform_8, window_bounds = array<i64: 16, 64>}, {pipeline_mode = #tpu.pipeline_mode<synchronous>, transform_indices = @transform_9, window_bounds = array<i64: 1, 64>}, {pipeline_mode = #tpu.pipeline_mode<synchronous>, transform_indices = @transform_10, window_bounds = array<i64: 64, 1>}, {pipeline_mode = #tpu.pipeline_mode<synchronous>, transform_indices = @transform_11, window_bounds = array<i64: 1, 1>}, {pipeline_mode = #tpu.pipeline_mode<synchronous>, transform_indices = @transform_12, window_bounds = array<i64: 1, 64>}, {pipeline_mode = #tpu.pipeline_mode<synchronous>, transform_indices = @transform_13, window_bounds = array<i64: 1, 64>}, {pipeline_mode = #tpu.pipeline_mode<synchronous>, transform_indices = @transform_14, window_bounds = array<i64: 80, 128>}, {pipeline_mode = #tpu.pipeline_mode<synchronous>, transform_indices = @transform_15, window_bounds = array<i64: 1, 128>}, {pipeline_mode = #tpu.pipeline_mode<synchronous>, transform_indices = @transform_16, window_bounds = array<i64: 128, 64>}, {pipeline_mode = #tpu.pipeline_mode<synchronous>, transform_indices = @transform_17, window_bounds = array<i64: 1, 64>}, {pipeline_mode = #tpu.pipeline_mode<synchronous>, transform_indices = @transform_18, window_bounds = array<i64: 129, 258>}, {transform_indices = @transform_19, window_bounds = array<i64: 1, 64, 64>}, {transform_indices = @transform_20, window_bounds = array<i64: 1, 64, 8>}, {transform_indices = @transform_21, window_bounds = array<i64: 1, 64, 258>}, {transform_indices = @transform_22, window_bounds = array<i64: 1, 64, 258>}]} {
    %mul3A = arith.constant 64 : i32
    %mul3A_0 = arith.muli %arg1, %mul3A : i32
    %multiple_of3A = tpu.assume_multiple %mul3A_0, 64 : i32
    %get3A = arith.constant 0 : index
    %get3A_1 = arith.index_cast %multiple_of3A : i32 to index
    %get3A_2 = arith.constant 0 : index
    %get3A_3 = vector.load %arg2[%get3A, %get3A_1, %get3A_2] : memref<1x256x64xf32, #tpu.memory_space<vmem>>, vector<1x64x64xf32>
    %get3A_4 = vector.shape_cast %get3A_3 : vector<1x64x64xf32> to vector<64x64xf32>
    %get3A_5 = arith.constant 0 : index
    %get3A_6 = arith.index_cast %multiple_of3A : i32 to index
    %get3A_7 = arith.constant 0 : index
    %get3A_8 = vector.load %arg3[%get3A_5, %get3A_6, %get3A_7] : memref<1x256x258xbf16, #tpu.memory_space<vmem>>, vector<1x64x258xbf16>
    %get3A_9 = vector.shape_cast %get3A_8 : vector<1x64x258xbf16> to vector<64x258xbf16>
    %get3A_10 = arith.constant 0 : index
    %get3A_11 = arith.index_cast %multiple_of3A : i32 to index
    %get3A_12 = arith.constant 0 : index
    %get3A_13 = vector.load %arg5[%get3A_10, %get3A_11, %get3A_12] : memref<1x256x8xf32, #tpu.memory_space<vmem>>, vector<1x64x8xf32>
    %get3A_14 = vector.shape_cast %get3A_13 : vector<1x64x8xf32> to vector<64x8xf32>
    %get3A_15 = arith.constant 0 : index
    %get3A_16 = arith.constant 0 : index
    %get3A_17 = arith.constant 0 : index
    %get3A_18 = vector.load %arg4[%get3A_15, %get3A_16, %get3A_17] : memref<1x256x258xbf16, #tpu.memory_space<vmem>>, vector<1x256x258xbf16>
    %get3A_19 = vector.shape_cast %get3A_18 : vector<1x256x258xbf16> to vector<256x258xbf16>
    %get3A_20 = arith.constant 0 : index
    %get3A_21 = arith.constant 0 : index
    %get3A_22 = arith.constant 0 : index
    %get3A_23 = vector.load %arg5[%get3A_20, %get3A_21, %get3A_22] : memref<1x256x8xf32, #tpu.memory_space<vmem>>, vector<1x256x8xf32>
    %get3A_24 = vector.shape_cast %get3A_23 : vector<1x256x8xf32> to vector<256x8xf32>
    %get3A_25 = arith.constant 128 : index
    %get3A_26 = arith.constant 0 : index
    %get3A_27 = vector.load %arg6[%get3A_25, %get3A_26] : memref<129x258xf32, #tpu.memory_space<vmem>>, vector<1x258xf32>
    %mul3A_28 = arith.constant -2.000000e+00 : f32
    %mul3A_29 = vector.broadcast %mul3A_28 : f32 to vector<1x258xf32>
    %mul3A_30 = arith.mulf %mul3A_29, %get3A_27 : vector<1x258xf32>
    %mul3A_31 = arith.constant -2.000000e+00 : f32
    %mul3A_32 = vector.broadcast %mul3A_31 : f32 to vector<1x258xf32>
    %mul3A_33 = arith.mulf %mul3A_32, %get3A_27 : vector<1x258xf32>
    %mul3A_34 = arith.constant -2.000000e+00 : f32
    %mul3A_35 = vector.broadcast %mul3A_34 : f32 to vector<1x258xf32>
    %mul3A_36 = arith.mulf %mul3A_35, %get3A_27 : vector<1x258xf32>
    %get3A_37 = arith.constant 0 : index
    %get3A_38 = arith.constant 0 : index
    %get3A_39 = vector.load %arg7[%get3A_37, %get3A_38] : memref<1x258xf32, #tpu.memory_space<vmem>>, vector<1x258xf32>
    %concatenate3A = tpu.concatenate %mul3A_30, %mul3A_33, %mul3A_36, %get3A_39, %get3A_27, %get3A_27 in 0 : vector<1x258xf32>, vector<1x258xf32>, vector<1x258xf32>, vector<1x258xf32>, vector<1x258xf32>, vector<1x258xf32> -> vector<6x258xf32>
    %iota3A = tpu.iota {dimensions = array<i32: 1>} : vector<1x8xi32>
    %eq3A = arith.constant 5 : i32
    %eq3A_40 = vector.broadcast %eq3A : i32 to vector<1x8xi32>
    %eq3A_41 = arith.cmpi eq, %iota3A, %eq3A_40 : vector<1x8xi32>
    %convert_element_type3A = arith.extui %eq3A_41 : vector<1x8xi1> to vector<1x8xi32>
    %convert_element_type3A_42 = arith.sitofp %convert_element_type3A : vector<1x8xi32> to vector<1x8xf32>
    %add3A = vector.broadcast %convert_element_type3A_42 : vector<1x8xf32> to vector<64x8xf32>
    %add3A_43 = arith.addf %get3A_14, %add3A : vector<64x8xf32>
    %slice3A = vector.extract_strided_slice %add3A_43 {offsets = [0, 0], sizes = [64, 6], strides = [1, 1]} : vector<64x8xf32> to vector<64x6xf32>
    %slice3A_44 = vector.extract_strided_slice %get3A_24 {offsets = [0, 0], sizes = [256, 4], strides = [1, 1]} : vector<256x8xf32> to vector<256x4xf32>
    %broadcast_in_dim3A = arith.constant 1.000000e+00 : f32
    %broadcast_in_dim3A_45 = vector.broadcast %broadcast_in_dim3A : f32 to vector<256x1xf32>
    %slice3A_46 = vector.extract_strided_slice %get3A_24 {offsets = [0, 4], sizes = [256, 1], strides = [1, 1]} : vector<256x8xf32> to vector<256x1xf32>
    %concatenate3A_47 = tpu.concatenate %slice3A_44, %broadcast_in_dim3A_45, %slice3A_46 in 1 : vector<256x4xf32>, vector<256x1xf32>, vector<256x1xf32> -> vector<256x6xf32>
    %broadcast_in_dim3A_48 = vector.shape_cast %slice3A : vector<64x6xf32> to vector<64x1x6xf32>
    %broadcast_in_dim3A_49 = vector.shape_cast %concatenate3A_47 : vector<256x6xf32> to vector<1x256x6xf32>
    %mul3A_50 = vector.broadcast %broadcast_in_dim3A_48 : vector<64x1x6xf32> to vector<64x256x6xf32>
    %mul3A_51 = vector.broadcast %broadcast_in_dim3A_49 : vector<1x256x6xf32> to vector<64x256x6xf32>
    %mul3A_52 = arith.mulf %mul3A_50, %mul3A_51 : vector<64x256x6xf32>
    %reshape3A = vector.shape_cast %mul3A_52 : vector<64x256x6xf32> to vector<16384x6xf32>
    %convert_element_type3A_53 = arith.truncf %reshape3A : vector<16384x6xf32> to vector<16384x6xbf16>
    %convert_element_type3A_54 = arith.truncf %concatenate3A : vector<6x258xf32> to vector<6x258xbf16>
    %dot_general3A = arith.constant dense<0.000000e+00> : vector<16384x258xf32>
    %dot_general3A_55 = tpu.matmul %convert_element_type3A_53, %convert_element_type3A_54, %dot_general3A {dimension_numbers = #tpu.dot_dimension_numbers<[1], [0], [0], [1], [0, 0, 1, 1], [], []>, transpose_lhs_hint = false} : vector<16384x6xbf16>, vector<6x258xbf16>, vector<16384x258xf32> -> vector<16384x258xf32>
    %convert_element_type3A_56 = arith.truncf %dot_general3A_55 : vector<16384x258xf32> to vector<16384x258xbf16>
    %broadcast_in_dim3A_57 = vector.shape_cast %get3A_9 : vector<64x258xbf16> to vector<64x1x258xbf16>
    %broadcast_in_dim3A_58 = vector.shape_cast %get3A_19 : vector<256x258xbf16> to vector<1x256x258xbf16>
    %add3A_59 = vector.broadcast %broadcast_in_dim3A_57 : vector<64x1x258xbf16> to vector<64x256x258xbf16>
    %add3A_60 = vector.broadcast %broadcast_in_dim3A_58 : vector<1x256x258xbf16> to vector<64x256x258xbf16>
    %add3A_61 = arith.addf %add3A_59, %add3A_60 : vector<64x256x258xbf16>
    %reshape3A_62 = vector.shape_cast %add3A_61 : vector<64x256x258xbf16> to vector<16384x258xbf16>
    %add3A_63 = arith.addf %reshape3A_62, %convert_element_type3A_56 : vector<16384x258xbf16>
    %mul3A_64 = arith.constant 5.000000e-01 : bf16
    %mul3A_65 = vector.broadcast %mul3A_64 : bf16 to vector<16384x258xbf16>
    %mul3A_66 = arith.mulf %mul3A_65, %add3A_63 : vector<16384x258xbf16>
    %tanh3A = math.tanh %mul3A_66 : vector<16384x258xbf16>
    %mul3A_67 = arith.mulf %mul3A_66, %tanh3A : vector<16384x258xbf16>
    %add3A_68 = arith.addf %mul3A_67, %mul3A_66 : vector<16384x258xbf16>
    %get3A_69 = arith.constant 0 : index
    %get3A_70 = arith.constant 0 : index
    %get3A_71 = vector.load %arg8[%get3A_69, %get3A_70] : memref<258x16xf32, #tpu.memory_space<vmem>>, vector<258x16xf32>
    %convert_element_type3A_72 = arith.truncf %get3A_71 : vector<258x16xf32> to vector<258x16xbf16>
    %dot_general3A_73 = arith.constant dense<0.000000e+00> : vector<16384x16xf32>
    %dot_general3A_74 = tpu.matmul %add3A_68, %convert_element_type3A_72, %dot_general3A_73 {dimension_numbers = #tpu.dot_dimension_numbers<[1], [0], [0], [1], [0, 0, 1, 1], [], []>, transpose_lhs_hint = false} : vector<16384x258xbf16>, vector<258x16xbf16>, vector<16384x16xf32> -> vector<16384x16xf32>
    %convert_element_type3A_75 = arith.truncf %dot_general3A_74 : vector<16384x16xf32> to vector<16384x16xbf16>
    %get3A_76 = arith.constant 0 : index
    %get3A_77 = arith.constant 0 : index
    %get3A_78 = vector.load %arg9[%get3A_76, %get3A_77] : memref<1x16xf32, #tpu.memory_space<vmem>>, vector<1x16xf32>
    %convert_element_type3A_79 = arith.truncf %get3A_78 : vector<1x16xf32> to vector<1x16xbf16>
    %add3A_80 = vector.broadcast %convert_element_type3A_79 : vector<1x16xbf16> to vector<16384x16xbf16>
    %add3A_81 = arith.addf %convert_element_type3A_75, %add3A_80 : vector<16384x16xbf16>
    %mul3A_82 = arith.constant 5.000000e-01 : bf16
    %mul3A_83 = vector.broadcast %mul3A_82 : bf16 to vector<16384x16xbf16>
    %mul3A_84 = arith.mulf %mul3A_83, %add3A_81 : vector<16384x16xbf16>
    %tanh3A_85 = math.tanh %mul3A_84 : vector<16384x16xbf16>
    %mul3A_86 = arith.mulf %mul3A_84, %tanh3A_85 : vector<16384x16xbf16>
    %add3A_87 = arith.addf %mul3A_86, %mul3A_84 : vector<16384x16xbf16>
    %get3A_88 = arith.constant 0 : index
    %get3A_89 = arith.constant 0 : index
    %get3A_90 = vector.load %arg10[%get3A_88, %get3A_89] : memref<16x64xf32, #tpu.memory_space<vmem>>, vector<16x64xf32>
    %convert_element_type3A_91 = arith.truncf %get3A_90 : vector<16x64xf32> to vector<16x64xbf16>
    %dot_general3A_92 = arith.constant dense<0.000000e+00> : vector<16384x64xf32>
    %dot_general3A_93 = tpu.matmul %add3A_87, %convert_element_type3A_91, %dot_general3A_92 {dimension_numbers = #tpu.dot_dimension_numbers<[1], [0], [0], [1], [0, 0, 1, 1], [], []>, transpose_lhs_hint = false} : vector<16384x16xbf16>, vector<16x64xbf16>, vector<16384x64xf32> -> vector<16384x64xf32>
    %convert_element_type3A_94 = arith.truncf %dot_general3A_93 : vector<16384x64xf32> to vector<16384x64xbf16>
    %get3A_95 = arith.constant 0 : index
    %get3A_96 = arith.constant 0 : index
    %get3A_97 = vector.load %arg11[%get3A_95, %get3A_96] : memref<1x64xf32, #tpu.memory_space<vmem>>, vector<1x64xf32>
    %convert_element_type3A_98 = arith.truncf %get3A_97 : vector<1x64xf32> to vector<1x64xbf16>
    %add3A_99 = vector.broadcast %convert_element_type3A_98 : vector<1x64xbf16> to vector<16384x64xbf16>
    %add3A_100 = arith.addf %convert_element_type3A_94, %add3A_99 : vector<16384x64xbf16>
    %mul3A_101 = arith.constant 5.000000e-01 : bf16
    %mul3A_102 = vector.broadcast %mul3A_101 : bf16 to vector<16384x64xbf16>
    %mul3A_103 = arith.mulf %mul3A_102, %add3A_100 : vector<16384x64xbf16>
    %tanh3A_104 = math.tanh %mul3A_103 : vector<16384x64xbf16>
    %mul3A_105 = arith.mulf %mul3A_103, %tanh3A_104 : vector<16384x64xbf16>
    %add3A_106 = arith.addf %mul3A_105, %mul3A_103 : vector<16384x64xbf16>
    %get3A_107 = arith.constant 0 : index
    %get3A_108 = arith.constant 0 : index
    %get3A_109 = vector.load %arg12[%get3A_107, %get3A_108] : memref<64x1xf32, #tpu.memory_space<vmem>>, vector<64x1xf32>
    %convert_element_type3A_110 = arith.truncf %get3A_109 : vector<64x1xf32> to vector<64x1xbf16>
    %broadcast_in_dim3A_111 = vector.shape_cast %convert_element_type3A_110 : vector<64x1xbf16> to vector<64x1xbf16>
    %broadcast_in_dim3A_112 = vector.broadcast %broadcast_in_dim3A_111 : vector<64x1xbf16> to vector<64x8xbf16>
    %dot_general3A_113 = arith.constant dense<0.000000e+00> : vector<16384x8xf32>
    %dot_general3A_114 = tpu.matmul %add3A_106, %broadcast_in_dim3A_112, %dot_general3A_113 {dimension_numbers = #tpu.dot_dimension_numbers<[1], [0], [0], [1], [0, 0, 1, 1], [], []>, transpose_lhs_hint = false} : vector<16384x64xbf16>, vector<64x8xbf16>, vector<16384x8xf32> -> vector<16384x8xf32>
    %get3A_115 = arith.constant 0 : index
    %get3A_116 = arith.constant 0 : index
    %get3A_117 = vector.load %arg13[%get3A_115, %get3A_116] : memref<1x1xf32, #tpu.memory_space<vmem>>, vector<1x1xf32>
    %add3A_118 = vector.broadcast %get3A_117 : vector<1x1xf32> to vector<16384x8xf32>
    %add3A_119 = arith.addf %dot_general3A_114, %add3A_118 : vector<16384x8xf32>
    %convert_element_type3A_120 = arith.truncf %add3A_119 : vector<16384x8xf32> to vector<16384x8xbf16>
    %broadcast_in_dim3A_121 = vector.shape_cast %get3A_24 : vector<256x8xf32> to vector<1x256x8xf32>
    %broadcast_in_dim3A_122 = vector.shape_cast %broadcast_in_dim3A_121 : vector<1x256x8xf32> to vector<1x256x8xf32>
    %broadcast_in_dim3A_123 = vector.broadcast %broadcast_in_dim3A_122 : vector<1x256x8xf32> to vector<64x256x8xf32>
    %reshape3A_124 = vector.shape_cast %broadcast_in_dim3A_123 : vector<64x256x8xf32> to vector<16384x8xf32>
    %convert_element_type3A_125 = arith.truncf %reshape3A_124 : vector<16384x8xf32> to vector<16384x8xbf16>
    %mul3A_126 = arith.mulf %convert_element_type3A_120, %convert_element_type3A_125 : vector<16384x8xbf16>
    %iota3A_127 = tpu.iota {dimensions = array<i32: 0>} : vector<64x16384xi32>
    %iota3A_128 = tpu.iota {dimensions = array<i32: 1>} : vector<64x16384xi32>
    %div3A = arith.constant 256 : i32
    %div3A_129 = vector.broadcast %div3A : i32 to vector<64x16384xi32>
    %div3A_130 = arith.divsi %iota3A_128, %div3A_129 : vector<64x16384xi32>
    %eq3A_131 = arith.cmpi eq, %div3A_130, %iota3A_127 : vector<64x16384xi32>
    %convert_element_type3A_132 = arith.extui %eq3A_131 : vector<64x16384xi1> to vector<64x16384xi32>
    %convert_element_type3A_133 = arith.sitofp %convert_element_type3A_132 : vector<64x16384xi32> to vector<64x16384xf32>
    %convert_element_type3A_134 = arith.truncf %convert_element_type3A_133 : vector<64x16384xf32> to vector<64x16384xbf16>
    %concatenate3A_135 = tpu.concatenate %add3A_87, %mul3A_126 in 1 : vector<16384x16xbf16>, vector<16384x8xbf16> -> vector<16384x24xbf16>
    %dot_general3A_136 = arith.constant dense<0.000000e+00> : vector<64x24xf32>
    %dot_general3A_137 = tpu.matmul %convert_element_type3A_134, %concatenate3A_135, %dot_general3A_136 {dimension_numbers = #tpu.dot_dimension_numbers<[1], [0], [0], [1], [0, 0, 1, 1], [], []>, transpose_lhs_hint = false} : vector<64x16384xbf16>, vector<16384x24xbf16>, vector<64x24xf32> -> vector<64x24xf32>
    %slice3A_138 = vector.extract_strided_slice %dot_general3A_137 {offsets = [0, 0], sizes = [64, 16], strides = [1, 1]} : vector<64x24xf32> to vector<64x16xf32>
    %slice3A_139 = vector.extract_strided_slice %dot_general3A_137 {offsets = [0, 16], sizes = [64, 8], strides = [1, 1]} : vector<64x24xf32> to vector<64x8xf32>
    %slice3A_140 = vector.extract_strided_slice %slice3A_139 {offsets = [0, 3], sizes = [64, 1], strides = [1, 1]} : vector<64x8xf32> to vector<64x1xf32>
    %slice3A_141 = vector.extract_strided_slice %get3A_14 {offsets = [0, 0], sizes = [64, 3], strides = [1, 1]} : vector<64x8xf32> to vector<64x3xf32>
    %add3A_142 = arith.constant 1.000000e+00 : f32
    %add3A_143 = vector.broadcast %add3A_142 : f32 to vector<64x1xf32>
    %add3A_144 = arith.addf %add3A_143, %slice3A_140 : vector<64x1xf32>
    %mul3A_145 = vector.broadcast %add3A_144 : vector<64x1xf32> to vector<64x3xf32>
    %mul3A_146 = arith.mulf %slice3A_141, %mul3A_145 : vector<64x3xf32>
    %slice3A_147 = vector.extract_strided_slice %slice3A_139 {offsets = [0, 0], sizes = [64, 3], strides = [1, 1]} : vector<64x8xf32> to vector<64x3xf32>
    %sub3A = arith.subf %mul3A_146, %slice3A_147 : vector<64x3xf32>
    %mul3A_148 = arith.mulf %sub3A, %sub3A : vector<64x3xf32>
    %reduce_sum3A = arith.constant dense<0.000000e+00> : vector<64xf32>
    %reduce_sum3A_149 = vector.multi_reduction <add>, %mul3A_148, %reduce_sum3A [1] : vector<64x3xf32> to vector<64xf32>
    %broadcast_in_dim3A_150 = vector.shape_cast %reduce_sum3A_149 : vector<64xf32> to vector<64x1xf32>
    %broadcast_in_dim3A_151 = arith.constant 1.000000e+00 : f32
    %broadcast_in_dim3A_152 = vector.broadcast %broadcast_in_dim3A_151 : f32 to vector<64x1xf32>
    %broadcast_in_dim3A_153 = arith.constant 0.000000e+00 : f32
    %broadcast_in_dim3A_154 = vector.broadcast %broadcast_in_dim3A_153 : f32 to vector<64x3xf32>
    %concatenate3A_155 = tpu.concatenate %sub3A, %broadcast_in_dim3A_152, %broadcast_in_dim3A_150, %broadcast_in_dim3A_154 in 1 : vector<64x3xf32>, vector<64x1xf32>, vector<64x1xf32>, vector<64x3xf32> -> vector<64x8xf32>
    %swap3A = arith.constant 0 : index
    %swap3A_156 = arith.constant 0 : index
    %swap3A_157 = arith.constant 0 : index
    %swap3A_158 = vector.load %arg22[%swap3A, %swap3A_156, %swap3A_157] : memref<1x64x8xf32, #tpu.memory_space<vmem>>, vector<1x64x8xf32>
    %swap3A_159 = vector.shape_cast %swap3A_158 : vector<1x64x8xf32> to vector<64x8xf32>
    %swap3A_160 = vector.shape_cast %concatenate3A_155 : vector<64x8xf32> to vector<1x64x8xf32>
    tpu.vector_store %arg22[%swap3A, %swap3A_156, %swap3A_157], %swap3A_160 {strides = array<i32>} : memref<1x64x8xf32, #tpu.memory_space<vmem>>, vector<1x64x8xf32>,
    %reduce_sum3A_161 = arith.constant dense<0.000000e+00> : vector<64xf32>
    %reduce_sum3A_162 = vector.multi_reduction <add>, %get3A_4, %reduce_sum3A_161 [1] : vector<64x64xf32> to vector<64xf32>
    %broadcast_in_dim3A_163 = vector.shape_cast %reduce_sum3A_162 : vector<64xf32> to vector<64x1xf32>
    %div3A_164 = arith.constant 6.400000e+01 : f32
    %div3A_165 = vector.broadcast %div3A_164 : f32 to vector<64x1xf32>
    %div3A_166 = arith.divf %broadcast_in_dim3A_163, %div3A_165 : vector<64x1xf32>
    %sub3A_167 = vector.broadcast %div3A_166 : vector<64x1xf32> to vector<64x64xf32>
    %sub3A_168 = arith.subf %get3A_4, %sub3A_167 : vector<64x64xf32>
    %integer_pow3A = arith.mulf %sub3A_168, %sub3A_168 : vector<64x64xf32>
    %reduce_sum3A_169 = arith.constant dense<0.000000e+00> : vector<64xf32>
    %reduce_sum3A_170 = vector.multi_reduction <add>, %integer_pow3A, %reduce_sum3A_169 [1] : vector<64x64xf32> to vector<64xf32>
    %broadcast_in_dim3A_171 = vector.shape_cast %reduce_sum3A_170 : vector<64xf32> to vector<64x1xf32>
    %div3A_172 = arith.constant 6.400000e+01 : f32
    %div3A_173 = vector.broadcast %div3A_172 : f32 to vector<64x1xf32>
    %div3A_174 = arith.divf %broadcast_in_dim3A_171, %div3A_173 : vector<64x1xf32>
    %sub3A_175 = vector.broadcast %div3A_166 : vector<64x1xf32> to vector<64x64xf32>
    %sub3A_176 = arith.subf %get3A_4, %sub3A_175 : vector<64x64xf32>
    %add3A_177 = arith.constant 9.99999974E-6 : f32
    %add3A_178 = vector.broadcast %add3A_177 : f32 to vector<64x1xf32>
    %add3A_179 = arith.addf %div3A_174, %add3A_178 : vector<64x1xf32>
    %rsqrt3A = math.rsqrt %add3A_179 : vector<64x1xf32>
    %mul3A_180 = vector.broadcast %rsqrt3A : vector<64x1xf32> to vector<64x64xf32>
    %mul3A_181 = arith.mulf %sub3A_176, %mul3A_180 : vector<64x64xf32>
    %get3A_182 = arith.constant 0 : index
    %get3A_183 = arith.constant 0 : index
    %get3A_184 = vector.load %arg14[%get3A_182, %get3A_183] : memref<1x64xf32, #tpu.memory_space<vmem>>, vector<1x64xf32>
    %mul3A_185 = vector.broadcast %get3A_184 : vector<1x64xf32> to vector<64x64xf32>
    %mul3A_186 = arith.mulf %mul3A_181, %mul3A_185 : vector<64x64xf32>
    %get3A_187 = arith.constant 0 : index
    %get3A_188 = arith.constant 0 : index
    %get3A_189 = vector.load %arg15[%get3A_187, %get3A_188] : memref<1x64xf32, #tpu.memory_space<vmem>>, vector<1x64xf32>
    %add3A_190 = vector.broadcast %get3A_189 : vector<1x64xf32> to vector<64x64xf32>
    %add3A_191 = arith.addf %mul3A_186, %add3A_190 : vector<64x64xf32>
    %concatenate3A_192 = tpu.concatenate %add3A_191, %slice3A_138 in 1 : vector<64x64xf32>, vector<64x16xf32> -> vector<64x80xf32>
    %get3A_193 = arith.constant 0 : index
    %get3A_194 = arith.constant 0 : index
    %get3A_195 = vector.load %arg16[%get3A_193, %get3A_194] : memref<80x128xf32, #tpu.memory_space<vmem>>, vector<80x128xf32>
    %dot_general3A_196 = arith.constant dense<0.000000e+00> : vector<64x128xf32>
    %dot_general3A_197 = tpu.matmul %concatenate3A_192, %get3A_195, %dot_general3A_196 {dimension_numbers = #tpu.dot_dimension_numbers<[1], [0], [0], [1], [0, 0, 1, 1], [], []>, transpose_lhs_hint = false} : vector<64x80xf32>, vector<80x128xf32>, vector<64x128xf32> -> vector<64x128xf32>
    %get3A_198 = arith.constant 0 : index
    %get3A_199 = arith.constant 0 : index
    %get3A_200 = vector.load %arg17[%get3A_198, %get3A_199] : memref<1x128xf32, #tpu.memory_space<vmem>>, vector<1x128xf32>
    %add3A_201 = vector.broadcast %get3A_200 : vector<1x128xf32> to vector<64x128xf32>
    %add3A_202 = arith.addf %dot_general3A_197, %add3A_201 : vector<64x128xf32>
    %mul3A_203 = arith.constant 5.000000e-01 : f32
    %mul3A_204 = vector.broadcast %mul3A_203 : f32 to vector<64x128xf32>
    %mul3A_205 = arith.mulf %mul3A_204, %add3A_202 : vector<64x128xf32>
    %tanh3A_206 = math.tanh %mul3A_205 : vector<64x128xf32>
    %mul3A_207 = arith.mulf %mul3A_205, %tanh3A_206 : vector<64x128xf32>
    %add3A_208 = arith.addf %mul3A_207, %mul3A_205 : vector<64x128xf32>
    %get3A_209 = arith.constant 0 : index
    %get3A_210 = arith.constant 0 : index
    %get3A_211 = vector.load %arg18[%get3A_209, %get3A_210] : memref<128x64xf32, #tpu.memory_space<vmem>>, vector<128x64xf32>
    %dot_general3A_212 = arith.constant dense<0.000000e+00> : vector<64x64xf32>
    %dot_general3A_213 = tpu.matmul %add3A_208, %get3A_211, %dot_general3A_212 {dimension_numbers = #tpu.dot_dimension_numbers<[1], [0], [0], [1], [0, 0, 1, 1], [], []>, transpose_lhs_hint = false} : vector<64x128xf32>, vector<128x64xf32>, vector<64x64xf32> -> vector<64x64xf32>
    %get3A_214 = arith.constant 0 : index
    %get3A_215 = arith.constant 0 : index
    %get3A_216 = vector.load %arg19[%get3A_214, %get3A_215] : memref<1x64xf32, #tpu.memory_space<vmem>>, vector<1x64xf32>
    %add3A_217 = vector.broadcast %get3A_216 : vector<1x64xf32> to vector<64x64xf32>
    %add3A_218 = arith.addf %dot_general3A_213, %add3A_217 : vector<64x64xf32>
    %add3A_219 = arith.addf %add3A_218, %get3A_4 : vector<64x64xf32>
    %swap3A_220 = arith.constant 0 : index
    %swap3A_221 = arith.constant 0 : index
    %swap3A_222 = arith.constant 0 : index
    %swap3A_223 = vector.load %arg21[%swap3A_220, %swap3A_221, %swap3A_222] : memref<1x64x64xf32, #tpu.memory_space<vmem>>, vector<1x64x64xf32>
    %swap3A_224 = vector.shape_cast %swap3A_223 : vector<1x64x64xf32> to vector<64x64xf32>
    %swap3A_225 = vector.shape_cast %add3A_219 : vector<64x64xf32> to vector<1x64x64xf32>
    tpu.vector_store %arg21[%swap3A_220, %swap3A_221, %swap3A_222], %swap3A_225 {strides = array<i32>} : memref<1x64x64xf32, #tpu.memory_space<vmem>>, vector<1x64x64xf32>,
    %get3A_226 = arith.constant 0 : index
    %get3A_227 = arith.constant 0 : index
    %get3A_228 = vector.load %arg20[%get3A_226, %get3A_227] : memref<129x258xf32, #tpu.memory_space<vmem>>, vector<64x258xf32>
    %dot_general3A_229 = arith.constant dense<0.000000e+00> : vector<64x258xf32>
    %dot_general3A_230 = tpu.matmul %add3A_219, %get3A_228, %dot_general3A_229 {dimension_numbers = #tpu.dot_dimension_numbers<[1], [0], [0], [1], [0, 0, 1, 1], [], []>, transpose_lhs_hint = false} : vector<64x64xf32>, vector<64x258xf32>, vector<64x258xf32> -> vector<64x258xf32>
    %convert_element_type3A_231 = arith.truncf %dot_general3A_230 : vector<64x258xf32> to vector<64x258xbf16>
    %swap3A_232 = arith.constant 0 : index
    %swap3A_233 = arith.constant 0 : index
    %swap3A_234 = arith.constant 0 : index
    %swap3A_235 = vector.load %arg23[%swap3A_232, %swap3A_233, %swap3A_234] : memref<1x64x258xbf16, #tpu.memory_space<vmem>>, vector<1x64x258xbf16>
    %swap3A_236 = vector.shape_cast %swap3A_235 : vector<1x64x258xbf16> to vector<64x258xbf16>
    %swap3A_237 = vector.shape_cast %convert_element_type3A_231 : vector<64x258xbf16> to vector<1x64x258xbf16>
    tpu.vector_store %arg23[%swap3A_232, %swap3A_233, %swap3A_234], %swap3A_237 {strides = array<i32>} : memref<1x64x258xbf16, #tpu.memory_space<vmem>>, vector<1x64x258xbf16>,
    %get3A_238 = arith.constant 64 : index
    %get3A_239 = arith.constant 0 : index
    %get3A_240 = vector.load %arg20[%get3A_238, %get3A_239] : memref<129x258xf32, #tpu.memory_space<vmem>>, vector<64x258xf32>
    %dot_general3A_241 = arith.constant dense<0.000000e+00> : vector<64x258xf32>
    %dot_general3A_242 = tpu.matmul %add3A_219, %get3A_240, %dot_general3A_241 {dimension_numbers = #tpu.dot_dimension_numbers<[1], [0], [0], [1], [0, 0, 1, 1], [], []>, transpose_lhs_hint = false} : vector<64x64xf32>, vector<64x258xf32>, vector<64x258xf32> -> vector<64x258xf32>
    %convert_element_type3A_243 = arith.truncf %dot_general3A_242 : vector<64x258xf32> to vector<64x258xbf16>
    %swap3A_244 = arith.constant 0 : index
    %swap3A_245 = arith.constant 0 : index
    %swap3A_246 = arith.constant 0 : index
    %swap3A_247 = vector.load %arg24[%swap3A_244, %swap3A_245, %swap3A_246] : memref<1x64x258xbf16, #tpu.memory_space<vmem>>, vector<1x64x258xbf16>
    %swap3A_248 = vector.shape_cast %swap3A_247 : vector<1x64x258xbf16> to vector<64x258xbf16>
    %swap3A_249 = vector.shape_cast %convert_element_type3A_243 : vector<64x258xbf16> to vector<1x64x258xbf16>
    tpu.vector_store %arg24[%swap3A_244, %swap3A_245, %swap3A_246], %swap3A_249 {strides = array<i32>} : memref<1x64x258xbf16, #tpu.memory_space<vmem>>, vector<1x64x258xbf16>,
    return
  }
  func.func @transform_0(%arg0: i32, %arg1: i32) -> (i32, i32, i32) {
    %c0_i32 = arith.constant 0 : i32
    %c0_i32_0 = arith.constant 0 : i32
    %c0_i32_1 = arith.constant 0 : i32
    return %arg0, %c0_i32, %c0_i32_0 : i32, i32, i32
  }
  func.func @transform_1(%arg0: i32, %arg1: i32) -> (i32, i32, i32) {
    %c0_i32 = arith.constant 0 : i32
    %c0_i32_0 = arith.constant 0 : i32
    %c0_i32_1 = arith.constant 0 : i32
    return %arg0, %c0_i32, %c0_i32_0 : i32, i32, i32
  }
  func.func @transform_2(%arg0: i32, %arg1: i32) -> (i32, i32, i32) {
    %c0_i32 = arith.constant 0 : i32
    %c0_i32_0 = arith.constant 0 : i32
    %c0_i32_1 = arith.constant 0 : i32
    return %arg0, %c0_i32, %c0_i32_0 : i32, i32, i32
  }
  func.func @transform_3(%arg0: i32, %arg1: i32) -> (i32, i32, i32) {
    %c0_i32 = arith.constant 0 : i32
    %c0_i32_0 = arith.constant 0 : i32
    %c0_i32_1 = arith.constant 0 : i32
    return %arg0, %c0_i32, %c0_i32_0 : i32, i32, i32
  }
  func.func @transform_4(%arg0: i32, %arg1: i32) -> (i32, i32) {
    %c0_i32 = arith.constant 0 : i32
    %c0_i32_0 = arith.constant 0 : i32
    %c0_i32_1 = arith.constant 0 : i32
    return %c0_i32, %c0_i32_0 : i32, i32
  }
  func.func @transform_5(%arg0: i32, %arg1: i32) -> (i32, i32) {
    %c0_i32 = arith.constant 0 : i32
    %c0_i32_0 = arith.constant 0 : i32
    %c0_i32_1 = arith.constant 0 : i32
    return %c0_i32, %c0_i32_0 : i32, i32
  }
  func.func @transform_6(%arg0: i32, %arg1: i32) -> (i32, i32) {
    %c0_i32 = arith.constant 0 : i32
    %c0_i32_0 = arith.constant 0 : i32
    %c0_i32_1 = arith.constant 0 : i32
    return %c0_i32, %c0_i32_0 : i32, i32
  }
  func.func @transform_7(%arg0: i32, %arg1: i32) -> (i32, i32) {
    %c0_i32 = arith.constant 0 : i32
    %c0_i32_0 = arith.constant 0 : i32
    %c0_i32_1 = arith.constant 0 : i32
    return %c0_i32, %c0_i32_0 : i32, i32
  }
  func.func @transform_8(%arg0: i32, %arg1: i32) -> (i32, i32) {
    %c0_i32 = arith.constant 0 : i32
    %c0_i32_0 = arith.constant 0 : i32
    %c0_i32_1 = arith.constant 0 : i32
    return %c0_i32, %c0_i32_0 : i32, i32
  }
  func.func @transform_9(%arg0: i32, %arg1: i32) -> (i32, i32) {
    %c0_i32 = arith.constant 0 : i32
    %c0_i32_0 = arith.constant 0 : i32
    %c0_i32_1 = arith.constant 0 : i32
    return %c0_i32, %c0_i32_0 : i32, i32
  }
  func.func @transform_10(%arg0: i32, %arg1: i32) -> (i32, i32) {
    %c0_i32 = arith.constant 0 : i32
    %c0_i32_0 = arith.constant 0 : i32
    %c0_i32_1 = arith.constant 0 : i32
    return %c0_i32, %c0_i32_0 : i32, i32
  }
  func.func @transform_11(%arg0: i32, %arg1: i32) -> (i32, i32) {
    %c0_i32 = arith.constant 0 : i32
    %c0_i32_0 = arith.constant 0 : i32
    %c0_i32_1 = arith.constant 0 : i32
    return %c0_i32, %c0_i32_0 : i32, i32
  }
  func.func @transform_12(%arg0: i32, %arg1: i32) -> (i32, i32) {
    %c0_i32 = arith.constant 0 : i32
    %c0_i32_0 = arith.constant 0 : i32
    %c0_i32_1 = arith.constant 0 : i32
    return %c0_i32, %c0_i32_0 : i32, i32
  }
  func.func @transform_13(%arg0: i32, %arg1: i32) -> (i32, i32) {
    %c0_i32 = arith.constant 0 : i32
    %c0_i32_0 = arith.constant 0 : i32
    %c0_i32_1 = arith.constant 0 : i32
    return %c0_i32, %c0_i32_0 : i32, i32
  }
  func.func @transform_14(%arg0: i32, %arg1: i32) -> (i32, i32) {
    %c0_i32 = arith.constant 0 : i32
    %c0_i32_0 = arith.constant 0 : i32
    %c0_i32_1 = arith.constant 0 : i32
    return %c0_i32, %c0_i32_0 : i32, i32
  }
  func.func @transform_15(%arg0: i32, %arg1: i32) -> (i32, i32) {
    %c0_i32 = arith.constant 0 : i32
    %c0_i32_0 = arith.constant 0 : i32
    %c0_i32_1 = arith.constant 0 : i32
    return %c0_i32, %c0_i32_0 : i32, i32
  }
  func.func @transform_16(%arg0: i32, %arg1: i32) -> (i32, i32) {
    %c0_i32 = arith.constant 0 : i32
    %c0_i32_0 = arith.constant 0 : i32
    %c0_i32_1 = arith.constant 0 : i32
    return %c0_i32, %c0_i32_0 : i32, i32
  }
  func.func @transform_17(%arg0: i32, %arg1: i32) -> (i32, i32) {
    %c0_i32 = arith.constant 0 : i32
    %c0_i32_0 = arith.constant 0 : i32
    %c0_i32_1 = arith.constant 0 : i32
    return %c0_i32, %c0_i32_0 : i32, i32
  }
  func.func @transform_18(%arg0: i32, %arg1: i32) -> (i32, i32) {
    %c0_i32 = arith.constant 0 : i32
    %c0_i32_0 = arith.constant 0 : i32
    %c0_i32_1 = arith.constant 0 : i32
    return %c0_i32, %c0_i32_0 : i32, i32
  }
  func.func @transform_19(%arg0: i32, %arg1: i32) -> (i32, i32, i32) {
    %c0_i32 = arith.constant 0 : i32
    %c0_i32_0 = arith.constant 0 : i32
    return %arg0, %arg1, %c0_i32 : i32, i32, i32
  }
  func.func @transform_20(%arg0: i32, %arg1: i32) -> (i32, i32, i32) {
    %c0_i32 = arith.constant 0 : i32
    %c0_i32_0 = arith.constant 0 : i32
    return %arg0, %arg1, %c0_i32 : i32, i32, i32
  }
  func.func @transform_21(%arg0: i32, %arg1: i32) -> (i32, i32, i32) {
    %c0_i32 = arith.constant 0 : i32
    %c0_i32_0 = arith.constant 0 : i32
    return %arg0, %arg1, %c0_i32 : i32, i32, i32
  }
  func.func @transform_22(%arg0: i32, %arg1: i32) -> (i32, i32, i32) {
    %c0_i32 = arith.constant 0 : i32
    %c0_i32_0 = arith.constant 0 : i32
    return %arg0, %arg1, %c0_i32 : i32, i32, i32
  }
}

module attributes {stable_mosaic.version = 14 : i64} {
  func.func @_layer_body(%arg0: i32, %arg1: i32, %arg2: memref<1x256x64xf32, #tpu.memory_space<vmem>>, %arg3: memref<1x256x258xbf16, #tpu.memory_space<vmem>>, %arg4: memref<1x256x258xbf16, #tpu.memory_space<vmem>>, %arg5: memref<1x256x8xf32, #tpu.memory_space<vmem>>, %arg6: memref<129x258xf32, #tpu.memory_space<vmem>>, %arg7: memref<1x258xf32, #tpu.memory_space<vmem>>, %arg8: memref<258x16xf32, #tpu.memory_space<vmem>>, %arg9: memref<1x16xf32, #tpu.memory_space<vmem>>, %arg10: memref<16x64xf32, #tpu.memory_space<vmem>>, %arg11: memref<1x64xf32, #tpu.memory_space<vmem>>, %arg12: memref<64x1xf32, #tpu.memory_space<vmem>>, %arg13: memref<1x1xf32, #tpu.memory_space<vmem>>, %arg14: memref<1x64xf32, #tpu.memory_space<vmem>>, %arg15: memref<1x64xf32, #tpu.memory_space<vmem>>, %arg16: memref<80x128xf32, #tpu.memory_space<vmem>>, %arg17: memref<1x128xf32, #tpu.memory_space<vmem>>, %arg18: memref<128x64xf32, #tpu.memory_space<vmem>>, %arg19: memref<1x64xf32, #tpu.memory_space<vmem>>, %arg20: memref<129x258xf32, #tpu.memory_space<vmem>>, %arg21: memref<1x64x64xf32, #tpu.memory_space<vmem>>, %arg22: memref<1x64x8xf32, #tpu.memory_space<vmem>>, %arg23: memref<1x64x258xbf16, #tpu.memory_space<vmem>>, %arg24: memref<1x64x258xbf16, #tpu.memory_space<vmem>>) attributes {dimension_semantics = [#tpu.dimension_semantics<arbitrary>, #tpu.dimension_semantics<arbitrary>], iteration_bounds = array<i64: 2, 4>, scalar_prefetch = 0 : i64, scratch_operands = 0 : i64, tpu.core_type = #tpu.core_type<tc>, window_params = [{transform_indices = @transform_0, window_bounds = array<i64: 1, 256, 64>}, {transform_indices = @transform_1, window_bounds = array<i64: 1, 256, 258>}, {transform_indices = @transform_2, window_bounds = array<i64: 1, 256, 258>}, {transform_indices = @transform_3, window_bounds = array<i64: 1, 256, 8>}, {pipeline_mode = #tpu.pipeline_mode<synchronous>, transform_indices = @transform_4, window_bounds = array<i64: 129, 258>}, {pipeline_mode = #tpu.pipeline_mode<synchronous>, transform_indices = @transform_5, window_bounds = array<i64: 1, 258>}, {pipeline_mode = #tpu.pipeline_mode<synchronous>, transform_indices = @transform_6, window_bounds = array<i64: 258, 16>}, {pipeline_mode = #tpu.pipeline_mode<synchronous>, transform_indices = @transform_7, window_bounds = array<i64: 1, 16>}, {pipeline_mode = #tpu.pipeline_mode<synchronous>, transform_indices = @transform_8, window_bounds = array<i64: 16, 64>}, {pipeline_mode = #tpu.pipeline_mode<synchronous>, transform_indices = @transform_9, window_bounds = array<i64: 1, 64>}, {pipeline_mode = #tpu.pipeline_mode<synchronous>, transform_indices = @transform_10, window_bounds = array<i64: 64, 1>}, {pipeline_mode = #tpu.pipeline_mode<synchronous>, transform_indices = @transform_11, window_bounds = array<i64: 1, 1>}, {pipeline_mode = #tpu.pipeline_mode<synchronous>, transform_indices = @transform_12, window_bounds = array<i64: 1, 64>}, {pipeline_mode = #tpu.pipeline_mode<synchronous>, transform_indices = @transform_13, window_bounds = array<i64: 1, 64>}, {pipeline_mode = #tpu.pipeline_mode<synchronous>, transform_indices = @transform_14, window_bounds = array<i64: 80, 128>}, {pipeline_mode = #tpu.pipeline_mode<synchronous>, transform_indices = @transform_15, window_bounds = array<i64: 1, 128>}, {pipeline_mode = #tpu.pipeline_mode<synchronous>, transform_indices = @transform_16, window_bounds = array<i64: 128, 64>}, {pipeline_mode = #tpu.pipeline_mode<synchronous>, transform_indices = @transform_17, window_bounds = array<i64: 1, 64>}, {pipeline_mode = #tpu.pipeline_mode<synchronous>, transform_indices = @transform_18, window_bounds = array<i64: 129, 258>}, {transform_indices = @transform_19, window_bounds = array<i64: 1, 64, 64>}, {transform_indices = @transform_20, window_bounds = array<i64: 1, 64, 8>}, {transform_indices = @transform_21, window_bounds = array<i64: 1, 64, 258>}, {transform_indices = @transform_22, window_bounds = array<i64: 1, 64, 258>}]} {
    %mul3A = arith.constant 64 : i32
    %mul3A_0 = arith.muli %arg1, %mul3A : i32
    %multiple_of3A = tpu.assume_multiple %mul3A_0, 64 : i32
    %get3A = arith.constant 0 : index
    %get3A_1 = arith.index_cast %multiple_of3A : i32 to index
    %get3A_2 = arith.constant 0 : index
    %get3A_3 = vector.load %arg2[%get3A, %get3A_1, %get3A_2] : memref<1x256x64xf32, #tpu.memory_space<vmem>>, vector<1x64x64xf32>
    %get3A_4 = vector.shape_cast %get3A_3 : vector<1x64x64xf32> to vector<64x64xf32>
    %get3A_5 = arith.constant 0 : index
    %get3A_6 = arith.index_cast %multiple_of3A : i32 to index
    %get3A_7 = arith.constant 0 : index
    %get3A_8 = vector.load %arg3[%get3A_5, %get3A_6, %get3A_7] : memref<1x256x258xbf16, #tpu.memory_space<vmem>>, vector<1x64x258xbf16>
    %get3A_9 = vector.shape_cast %get3A_8 : vector<1x64x258xbf16> to vector<64x258xbf16>
    %get3A_10 = arith.constant 0 : index
    %get3A_11 = arith.index_cast %multiple_of3A : i32 to index
    %get3A_12 = arith.constant 0 : index
    %get3A_13 = vector.load %arg5[%get3A_10, %get3A_11, %get3A_12] : memref<1x256x8xf32, #tpu.memory_space<vmem>>, vector<1x64x8xf32>
    %get3A_14 = vector.shape_cast %get3A_13 : vector<1x64x8xf32> to vector<64x8xf32>
    %get3A_15 = arith.constant 0 : index
    %get3A_16 = arith.constant 0 : index
    %get3A_17 = arith.constant 0 : index
    %get3A_18 = vector.load %arg4[%get3A_15, %get3A_16, %get3A_17] : memref<1x256x258xbf16, #tpu.memory_space<vmem>>, vector<1x256x258xbf16>
    %get3A_19 = vector.shape_cast %get3A_18 : vector<1x256x258xbf16> to vector<256x258xbf16>
    %get3A_20 = arith.constant 0 : index
    %get3A_21 = arith.constant 0 : index
    %get3A_22 = arith.constant 0 : index
    %get3A_23 = vector.load %arg5[%get3A_20, %get3A_21, %get3A_22] : memref<1x256x8xf32, #tpu.memory_space<vmem>>, vector<1x256x8xf32>
    %get3A_24 = vector.shape_cast %get3A_23 : vector<1x256x8xf32> to vector<256x8xf32>
    %get3A_25 = arith.constant 128 : index
    %get3A_26 = arith.constant 0 : index
    %get3A_27 = vector.load %arg6[%get3A_25, %get3A_26] : memref<129x258xf32, #tpu.memory_space<vmem>>, vector<1x258xf32>
    %mul3A_28 = arith.constant -2.000000e+00 : f32
    %mul3A_29 = vector.broadcast %mul3A_28 : f32 to vector<1x258xf32>
    %mul3A_30 = arith.mulf %mul3A_29, %get3A_27 : vector<1x258xf32>
    %mul3A_31 = arith.constant -2.000000e+00 : f32
    %mul3A_32 = vector.broadcast %mul3A_31 : f32 to vector<1x258xf32>
    %mul3A_33 = arith.mulf %mul3A_32, %get3A_27 : vector<1x258xf32>
    %mul3A_34 = arith.constant -2.000000e+00 : f32
    %mul3A_35 = vector.broadcast %mul3A_34 : f32 to vector<1x258xf32>
    %mul3A_36 = arith.mulf %mul3A_35, %get3A_27 : vector<1x258xf32>
    %get3A_37 = arith.constant 0 : index
    %get3A_38 = arith.constant 0 : index
    %get3A_39 = vector.load %arg7[%get3A_37, %get3A_38] : memref<1x258xf32, #tpu.memory_space<vmem>>, vector<1x258xf32>
    %concatenate3A = tpu.concatenate %mul3A_30, %mul3A_33, %mul3A_36, %get3A_39, %get3A_27, %get3A_27 in 0 : vector<1x258xf32>, vector<1x258xf32>, vector<1x258xf32>, vector<1x258xf32>, vector<1x258xf32>, vector<1x258xf32> -> vector<6x258xf32>
    %iota3A = tpu.iota {dimensions = array<i32: 1>} : vector<1x8xi32>
    %eq3A = arith.constant 5 : i32
    %eq3A_40 = vector.broadcast %eq3A : i32 to vector<1x8xi32>
    %eq3A_41 = arith.cmpi eq, %iota3A, %eq3A_40 : vector<1x8xi32>
    %convert_element_type3A = arith.extui %eq3A_41 : vector<1x8xi1> to vector<1x8xi32>
    %convert_element_type3A_42 = arith.sitofp %convert_element_type3A : vector<1x8xi32> to vector<1x8xf32>
    %add3A = vector.broadcast %convert_element_type3A_42 : vector<1x8xf32> to vector<64x8xf32>
    %add3A_43 = arith.addf %get3A_14, %add3A : vector<64x8xf32>
    %slice3A = vector.extract_strided_slice %add3A_43 {offsets = [0, 0], sizes = [64, 6], strides = [1, 1]} : vector<64x8xf32> to vector<64x6xf32>
    %slice3A_44 = vector.extract_strided_slice %get3A_24 {offsets = [0, 0], sizes = [256, 4], strides = [1, 1]} : vector<256x8xf32> to vector<256x4xf32>
    %broadcast_in_dim3A = arith.constant 1.000000e+00 : f32
    %broadcast_in_dim3A_45 = vector.broadcast %broadcast_in_dim3A : f32 to vector<256x1xf32>
    %slice3A_46 = vector.extract_strided_slice %get3A_24 {offsets = [0, 4], sizes = [256, 1], strides = [1, 1]} : vector<256x8xf32> to vector<256x1xf32>
    %concatenate3A_47 = tpu.concatenate %slice3A_44, %broadcast_in_dim3A_45, %slice3A_46 in 1 : vector<256x4xf32>, vector<256x1xf32>, vector<256x1xf32> -> vector<256x6xf32>
    %broadcast_in_dim3A_48 = vector.shape_cast %slice3A : vector<64x6xf32> to vector<64x1x6xf32>
    %broadcast_in_dim3A_49 = vector.shape_cast %concatenate3A_47 : vector<256x6xf32> to vector<1x256x6xf32>
    %mul3A_50 = vector.broadcast %broadcast_in_dim3A_48 : vector<64x1x6xf32> to vector<64x256x6xf32>
    %mul3A_51 = vector.broadcast %broadcast_in_dim3A_49 : vector<1x256x6xf32> to vector<64x256x6xf32>
    %mul3A_52 = arith.mulf %mul3A_50, %mul3A_51 : vector<64x256x6xf32>
    %reshape3A = vector.shape_cast %mul3A_52 : vector<64x256x6xf32> to vector<16384x6xf32>
    %convert_element_type3A_53 = arith.truncf %reshape3A : vector<16384x6xf32> to vector<16384x6xbf16>
    %convert_element_type3A_54 = arith.truncf %concatenate3A : vector<6x258xf32> to vector<6x258xbf16>
    %dot_general3A = arith.constant dense<0.000000e+00> : vector<16384x258xf32>
    %dot_general3A_55 = tpu.matmul %convert_element_type3A_53, %convert_element_type3A_54, %dot_general3A {dimension_numbers = #tpu.dot_dimension_numbers<[1], [0], [0], [1], [0, 0, 1, 1], [], []>, transpose_lhs_hint = false} : vector<16384x6xbf16>, vector<6x258xbf16>, vector<16384x258xf32> -> vector<16384x258xf32>
    %convert_element_type3A_56 = arith.truncf %dot_general3A_55 : vector<16384x258xf32> to vector<16384x258xbf16>
    %broadcast_in_dim3A_57 = vector.shape_cast %get3A_9 : vector<64x258xbf16> to vector<64x1x258xbf16>
    %broadcast_in_dim3A_58 = vector.shape_cast %get3A_19 : vector<256x258xbf16> to vector<1x256x258xbf16>
    %add3A_59 = vector.broadcast %broadcast_in_dim3A_57 : vector<64x1x258xbf16> to vector<64x256x258xbf16>
    %add3A_60 = vector.broadcast %broadcast_in_dim3A_58 : vector<1x256x258xbf16> to vector<64x256x258xbf16>
    %add3A_61 = arith.addf %add3A_59, %add3A_60 : vector<64x256x258xbf16>
    %reshape3A_62 = vector.shape_cast %add3A_61 : vector<64x256x258xbf16> to vector<16384x258xbf16>
    %add3A_63 = arith.addf %reshape3A_62, %convert_element_type3A_56 : vector<16384x258xbf16>
    %mul3A_64 = arith.constant 5.000000e-01 : bf16
    %mul3A_65 = vector.broadcast %mul3A_64 : bf16 to vector<16384x258xbf16>
    %mul3A_66 = arith.mulf %mul3A_65, %add3A_63 : vector<16384x258xbf16>
    %tanh3A = math.tanh %mul3A_66 : vector<16384x258xbf16>
    %mul3A_67 = arith.mulf %mul3A_66, %tanh3A : vector<16384x258xbf16>
    %add3A_68 = arith.addf %mul3A_67, %mul3A_66 : vector<16384x258xbf16>
    %get3A_69 = arith.constant 0 : index
    %get3A_70 = arith.constant 0 : index
    %get3A_71 = vector.load %arg8[%get3A_69, %get3A_70] : memref<258x16xf32, #tpu.memory_space<vmem>>, vector<258x16xf32>
    %convert_element_type3A_72 = arith.truncf %get3A_71 : vector<258x16xf32> to vector<258x16xbf16>
    %dot_general3A_73 = arith.constant dense<0.000000e+00> : vector<16384x16xf32>
    %dot_general3A_74 = tpu.matmul %add3A_68, %convert_element_type3A_72, %dot_general3A_73 {dimension_numbers = #tpu.dot_dimension_numbers<[1], [0], [0], [1], [0, 0, 1, 1], [], []>, transpose_lhs_hint = false} : vector<16384x258xbf16>, vector<258x16xbf16>, vector<16384x16xf32> -> vector<16384x16xf32>
    %convert_element_type3A_75 = arith.truncf %dot_general3A_74 : vector<16384x16xf32> to vector<16384x16xbf16>
    %get3A_76 = arith.constant 0 : index
    %get3A_77 = arith.constant 0 : index
    %get3A_78 = vector.load %arg9[%get3A_76, %get3A_77] : memref<1x16xf32, #tpu.memory_space<vmem>>, vector<1x16xf32>
    %convert_element_type3A_79 = arith.truncf %get3A_78 : vector<1x16xf32> to vector<1x16xbf16>
    %add3A_80 = vector.broadcast %convert_element_type3A_79 : vector<1x16xbf16> to vector<16384x16xbf16>
    %add3A_81 = arith.addf %convert_element_type3A_75, %add3A_80 : vector<16384x16xbf16>
    %mul3A_82 = arith.constant 5.000000e-01 : bf16
    %mul3A_83 = vector.broadcast %mul3A_82 : bf16 to vector<16384x16xbf16>
    %mul3A_84 = arith.mulf %mul3A_83, %add3A_81 : vector<16384x16xbf16>
    %tanh3A_85 = math.tanh %mul3A_84 : vector<16384x16xbf16>
    %mul3A_86 = arith.mulf %mul3A_84, %tanh3A_85 : vector<16384x16xbf16>
    %add3A_87 = arith.addf %mul3A_86, %mul3A_84 : vector<16384x16xbf16>
    %get3A_88 = arith.constant 0 : index
    %get3A_89 = arith.constant 0 : index
    %get3A_90 = vector.load %arg10[%get3A_88, %get3A_89] : memref<16x64xf32, #tpu.memory_space<vmem>>, vector<16x64xf32>
    %convert_element_type3A_91 = arith.truncf %get3A_90 : vector<16x64xf32> to vector<16x64xbf16>
    %dot_general3A_92 = arith.constant dense<0.000000e+00> : vector<16384x64xf32>
    %dot_general3A_93 = tpu.matmul %add3A_87, %convert_element_type3A_91, %dot_general3A_92 {dimension_numbers = #tpu.dot_dimension_numbers<[1], [0], [0], [1], [0, 0, 1, 1], [], []>, transpose_lhs_hint = false} : vector<16384x16xbf16>, vector<16x64xbf16>, vector<16384x64xf32> -> vector<16384x64xf32>
    %convert_element_type3A_94 = arith.truncf %dot_general3A_93 : vector<16384x64xf32> to vector<16384x64xbf16>
    %get3A_95 = arith.constant 0 : index
    %get3A_96 = arith.constant 0 : index
    %get3A_97 = vector.load %arg11[%get3A_95, %get3A_96] : memref<1x64xf32, #tpu.memory_space<vmem>>, vector<1x64xf32>
    %convert_element_type3A_98 = arith.truncf %get3A_97 : vector<1x64xf32> to vector<1x64xbf16>
    %add3A_99 = vector.broadcast %convert_element_type3A_98 : vector<1x64xbf16> to vector<16384x64xbf16>
    %add3A_100 = arith.addf %convert_element_type3A_94, %add3A_99 : vector<16384x64xbf16>
    %mul3A_101 = arith.constant 5.000000e-01 : bf16
    %mul3A_102 = vector.broadcast %mul3A_101 : bf16 to vector<16384x64xbf16>
    %mul3A_103 = arith.mulf %mul3A_102, %add3A_100 : vector<16384x64xbf16>
    %tanh3A_104 = math.tanh %mul3A_103 : vector<16384x64xbf16>
    %mul3A_105 = arith.mulf %mul3A_103, %tanh3A_104 : vector<16384x64xbf16>
    %add3A_106 = arith.addf %mul3A_105, %mul3A_103 : vector<16384x64xbf16>
    %get3A_107 = arith.constant 0 : index
    %get3A_108 = arith.constant 0 : index
    %get3A_109 = vector.load %arg12[%get3A_107, %get3A_108] : memref<64x1xf32, #tpu.memory_space<vmem>>, vector<64x1xf32>
    %convert_element_type3A_110 = arith.truncf %get3A_109 : vector<64x1xf32> to vector<64x1xbf16>
    %broadcast_in_dim3A_111 = vector.shape_cast %convert_element_type3A_110 : vector<64x1xbf16> to vector<64x1xbf16>
    %broadcast_in_dim3A_112 = vector.broadcast %broadcast_in_dim3A_111 : vector<64x1xbf16> to vector<64x8xbf16>
    %dot_general3A_113 = arith.constant dense<0.000000e+00> : vector<16384x8xf32>
    %dot_general3A_114 = tpu.matmul %add3A_106, %broadcast_in_dim3A_112, %dot_general3A_113 {dimension_numbers = #tpu.dot_dimension_numbers<[1], [0], [0], [1], [0, 0, 1, 1], [], []>, transpose_lhs_hint = false} : vector<16384x64xbf16>, vector<64x8xbf16>, vector<16384x8xf32> -> vector<16384x8xf32>
    %get3A_115 = arith.constant 0 : index
    %get3A_116 = arith.constant 0 : index
    %get3A_117 = vector.load %arg13[%get3A_115, %get3A_116] : memref<1x1xf32, #tpu.memory_space<vmem>>, vector<1x1xf32>
    %add3A_118 = vector.broadcast %get3A_117 : vector<1x1xf32> to vector<16384x8xf32>
    %add3A_119 = arith.addf %dot_general3A_114, %add3A_118 : vector<16384x8xf32>
    %convert_element_type3A_120 = arith.truncf %add3A_119 : vector<16384x8xf32> to vector<16384x8xbf16>
    %broadcast_in_dim3A_121 = vector.shape_cast %get3A_24 : vector<256x8xf32> to vector<1x256x8xf32>
    %broadcast_in_dim3A_122 = vector.shape_cast %broadcast_in_dim3A_121 : vector<1x256x8xf32> to vector<1x256x8xf32>
    %broadcast_in_dim3A_123 = vector.broadcast %broadcast_in_dim3A_122 : vector<1x256x8xf32> to vector<64x256x8xf32>
    %reshape3A_124 = vector.shape_cast %broadcast_in_dim3A_123 : vector<64x256x8xf32> to vector<16384x8xf32>
    %convert_element_type3A_125 = arith.truncf %reshape3A_124 : vector<16384x8xf32> to vector<16384x8xbf16>
    %mul3A_126 = arith.mulf %convert_element_type3A_120, %convert_element_type3A_125 : vector<16384x8xbf16>
    %iota3A_127 = tpu.iota {dimensions = array<i32: 0>} : vector<64x16384xi32>
    %iota3A_128 = tpu.iota {dimensions = array<i32: 1>} : vector<64x16384xi32>
    %div3A = arith.constant 256 : i32
    %div3A_129 = vector.broadcast %div3A : i32 to vector<64x16384xi32>
    %div3A_130 = arith.divsi %iota3A_128, %div3A_129 : vector<64x16384xi32>
    %eq3A_131 = arith.cmpi eq, %div3A_130, %iota3A_127 : vector<64x16384xi32>
    %convert_element_type3A_132 = arith.extui %eq3A_131 : vector<64x16384xi1> to vector<64x16384xi32>
    %convert_element_type3A_133 = arith.sitofp %convert_element_type3A_132 : vector<64x16384xi32> to vector<64x16384xf32>
    %convert_element_type3A_134 = arith.truncf %convert_element_type3A_133 : vector<64x16384xf32> to vector<64x16384xbf16>
    %concatenate3A_135 = tpu.concatenate %add3A_87, %mul3A_126 in 1 : vector<16384x16xbf16>, vector<16384x8xbf16> -> vector<16384x24xbf16>
    %dot_general3A_136 = arith.constant dense<0.000000e+00> : vector<64x24xf32>
    %dot_general3A_137 = tpu.matmul %convert_element_type3A_134, %concatenate3A_135, %dot_general3A_136 {dimension_numbers = #tpu.dot_dimension_numbers<[1], [0], [0], [1], [0, 0, 1, 1], [], []>, transpose_lhs_hint = false} : vector<64x16384xbf16>, vector<16384x24xbf16>, vector<64x24xf32> -> vector<64x24xf32>
    %slice3A_138 = vector.extract_strided_slice %dot_general3A_137 {offsets = [0, 0], sizes = [64, 16], strides = [1, 1]} : vector<64x24xf32> to vector<64x16xf32>
    %slice3A_139 = vector.extract_strided_slice %dot_general3A_137 {offsets = [0, 16], sizes = [64, 8], strides = [1, 1]} : vector<64x24xf32> to vector<64x8xf32>
    %slice3A_140 = vector.extract_strided_slice %slice3A_139 {offsets = [0, 3], sizes = [64, 1], strides = [1, 1]} : vector<64x8xf32> to vector<64x1xf32>
    %slice3A_141 = vector.extract_strided_slice %get3A_14 {offsets = [0, 0], sizes = [64, 3], strides = [1, 1]} : vector<64x8xf32> to vector<64x3xf32>
    %add3A_142 = arith.constant 1.000000e+00 : f32
    %add3A_143 = vector.broadcast %add3A_142 : f32 to vector<64x1xf32>
    %add3A_144 = arith.addf %add3A_143, %slice3A_140 : vector<64x1xf32>
    %mul3A_145 = vector.broadcast %add3A_144 : vector<64x1xf32> to vector<64x3xf32>
    %mul3A_146 = arith.mulf %slice3A_141, %mul3A_145 : vector<64x3xf32>
    %slice3A_147 = vector.extract_strided_slice %slice3A_139 {offsets = [0, 0], sizes = [64, 3], strides = [1, 1]} : vector<64x8xf32> to vector<64x3xf32>
    %sub3A = arith.subf %mul3A_146, %slice3A_147 : vector<64x3xf32>
    %mul3A_148 = arith.mulf %sub3A, %sub3A : vector<64x3xf32>
    %reduce_sum3A = arith.constant dense<0.000000e+00> : vector<64xf32>
    %reduce_sum3A_149 = vector.multi_reduction <add>, %mul3A_148, %reduce_sum3A [1] : vector<64x3xf32> to vector<64xf32>
    %broadcast_in_dim3A_150 = vector.shape_cast %reduce_sum3A_149 : vector<64xf32> to vector<64x1xf32>
    %broadcast_in_dim3A_151 = arith.constant 1.000000e+00 : f32
    %broadcast_in_dim3A_152 = vector.broadcast %broadcast_in_dim3A_151 : f32 to vector<64x1xf32>
    %broadcast_in_dim3A_153 = arith.constant 0.000000e+00 : f32
    %broadcast_in_dim3A_154 = vector.broadcast %broadcast_in_dim3A_153 : f32 to vector<64x3xf32>
    %concatenate3A_155 = tpu.concatenate %sub3A, %broadcast_in_dim3A_152, %broadcast_in_dim3A_150, %broadcast_in_dim3A_154 in 1 : vector<64x3xf32>, vector<64x1xf32>, vector<64x1xf32>, vector<64x3xf32> -> vector<64x8xf32>
    %swap3A = arith.constant 0 : index
    %swap3A_156 = arith.constant 0 : index
    %swap3A_157 = arith.constant 0 : index
    %swap3A_158 = vector.load %arg22[%swap3A, %swap3A_156, %swap3A_157] : memref<1x64x8xf32, #tpu.memory_space<vmem>>, vector<1x64x8xf32>
    %swap3A_159 = vector.shape_cast %swap3A_158 : vector<1x64x8xf32> to vector<64x8xf32>
    %swap3A_160 = vector.shape_cast %concatenate3A_155 : vector<64x8xf32> to vector<1x64x8xf32>
    tpu.vector_store %arg22[%swap3A, %swap3A_156, %swap3A_157], %swap3A_160 {strides = array<i32>} : memref<1x64x8xf32, #tpu.memory_space<vmem>>, vector<1x64x8xf32>,
    %reduce_sum3A_161 = arith.constant dense<0.000000e+00> : vector<64xf32>
    %reduce_sum3A_162 = vector.multi_reduction <add>, %get3A_4, %reduce_sum3A_161 [1] : vector<64x64xf32> to vector<64xf32>
    %broadcast_in_dim3A_163 = vector.shape_cast %reduce_sum3A_162 : vector<64xf32> to vector<64x1xf32>
    %div3A_164 = arith.constant 6.400000e+01 : f32
    %div3A_165 = vector.broadcast %div3A_164 : f32 to vector<64x1xf32>
    %div3A_166 = arith.divf %broadcast_in_dim3A_163, %div3A_165 : vector<64x1xf32>
    %sub3A_167 = vector.broadcast %div3A_166 : vector<64x1xf32> to vector<64x64xf32>
    %sub3A_168 = arith.subf %get3A_4, %sub3A_167 : vector<64x64xf32>
    %integer_pow3A = arith.mulf %sub3A_168, %sub3A_168 : vector<64x64xf32>
    %reduce_sum3A_169 = arith.constant dense<0.000000e+00> : vector<64xf32>
    %reduce_sum3A_170 = vector.multi_reduction <add>, %integer_pow3A, %reduce_sum3A_169 [1] : vector<64x64xf32> to vector<64xf32>
    %broadcast_in_dim3A_171 = vector.shape_cast %reduce_sum3A_170 : vector<64xf32> to vector<64x1xf32>
    %div3A_172 = arith.constant 6.400000e+01 : f32
    %div3A_173 = vector.broadcast %div3A_172 : f32 to vector<64x1xf32>
    %div3A_174 = arith.divf %broadcast_in_dim3A_171, %div3A_173 : vector<64x1xf32>
    %sub3A_175 = vector.broadcast %div3A_166 : vector<64x1xf32> to vector<64x64xf32>
    %sub3A_176 = arith.subf %get3A_4, %sub3A_175 : vector<64x64xf32>
    %add3A_177 = arith.constant 9.99999974E-6 : f32
    %add3A_178 = vector.broadcast %add3A_177 : f32 to vector<64x1xf32>
    %add3A_179 = arith.addf %div3A_174, %add3A_178 : vector<64x1xf32>
    %rsqrt3A = math.rsqrt %add3A_179 : vector<64x1xf32>
    %mul3A_180 = vector.broadcast %rsqrt3A : vector<64x1xf32> to vector<64x64xf32>
    %mul3A_181 = arith.mulf %sub3A_176, %mul3A_180 : vector<64x64xf32>
    %get3A_182 = arith.constant 0 : index
    %get3A_183 = arith.constant 0 : index
    %get3A_184 = vector.load %arg14[%get3A_182, %get3A_183] : memref<1x64xf32, #tpu.memory_space<vmem>>, vector<1x64xf32>
    %mul3A_185 = vector.broadcast %get3A_184 : vector<1x64xf32> to vector<64x64xf32>
    %mul3A_186 = arith.mulf %mul3A_181, %mul3A_185 : vector<64x64xf32>
    %get3A_187 = arith.constant 0 : index
    %get3A_188 = arith.constant 0 : index
    %get3A_189 = vector.load %arg15[%get3A_187, %get3A_188] : memref<1x64xf32, #tpu.memory_space<vmem>>, vector<1x64xf32>
    %add3A_190 = vector.broadcast %get3A_189 : vector<1x64xf32> to vector<64x64xf32>
    %add3A_191 = arith.addf %mul3A_186, %add3A_190 : vector<64x64xf32>
    %concatenate3A_192 = tpu.concatenate %add3A_191, %slice3A_138 in 1 : vector<64x64xf32>, vector<64x16xf32> -> vector<64x80xf32>
    %get3A_193 = arith.constant 0 : index
    %get3A_194 = arith.constant 0 : index
    %get3A_195 = vector.load %arg16[%get3A_193, %get3A_194] : memref<80x128xf32, #tpu.memory_space<vmem>>, vector<80x128xf32>
    %dot_general3A_196 = arith.constant dense<0.000000e+00> : vector<64x128xf32>
    %dot_general3A_197 = tpu.matmul %concatenate3A_192, %get3A_195, %dot_general3A_196 {dimension_numbers = #tpu.dot_dimension_numbers<[1], [0], [0], [1], [0, 0, 1, 1], [], []>, transpose_lhs_hint = false} : vector<64x80xf32>, vector<80x128xf32>, vector<64x128xf32> -> vector<64x128xf32>
    %get3A_198 = arith.constant 0 : index
    %get3A_199 = arith.constant 0 : index
    %get3A_200 = vector.load %arg17[%get3A_198, %get3A_199] : memref<1x128xf32, #tpu.memory_space<vmem>>, vector<1x128xf32>
    %add3A_201 = vector.broadcast %get3A_200 : vector<1x128xf32> to vector<64x128xf32>
    %add3A_202 = arith.addf %dot_general3A_197, %add3A_201 : vector<64x128xf32>
    %mul3A_203 = arith.constant 5.000000e-01 : f32
    %mul3A_204 = vector.broadcast %mul3A_203 : f32 to vector<64x128xf32>
    %mul3A_205 = arith.mulf %mul3A_204, %add3A_202 : vector<64x128xf32>
    %tanh3A_206 = math.tanh %mul3A_205 : vector<64x128xf32>
    %mul3A_207 = arith.mulf %mul3A_205, %tanh3A_206 : vector<64x128xf32>
    %add3A_208 = arith.addf %mul3A_207, %mul3A_205 : vector<64x128xf32>
    %get3A_209 = arith.constant 0 : index
    %get3A_210 = arith.constant 0 : index
    %get3A_211 = vector.load %arg18[%get3A_209, %get3A_210] : memref<128x64xf32, #tpu.memory_space<vmem>>, vector<128x64xf32>
    %dot_general3A_212 = arith.constant dense<0.000000e+00> : vector<64x64xf32>
    %dot_general3A_213 = tpu.matmul %add3A_208, %get3A_211, %dot_general3A_212 {dimension_numbers = #tpu.dot_dimension_numbers<[1], [0], [0], [1], [0, 0, 1, 1], [], []>, transpose_lhs_hint = false} : vector<64x128xf32>, vector<128x64xf32>, vector<64x64xf32> -> vector<64x64xf32>
    %get3A_214 = arith.constant 0 : index
    %get3A_215 = arith.constant 0 : index
    %get3A_216 = vector.load %arg19[%get3A_214, %get3A_215] : memref<1x64xf32, #tpu.memory_space<vmem>>, vector<1x64xf32>
    %add3A_217 = vector.broadcast %get3A_216 : vector<1x64xf32> to vector<64x64xf32>
    %add3A_218 = arith.addf %dot_general3A_213, %add3A_217 : vector<64x64xf32>
    %add3A_219 = arith.addf %add3A_218, %get3A_4 : vector<64x64xf32>
    %swap3A_220 = arith.constant 0 : index
    %swap3A_221 = arith.constant 0 : index
    %swap3A_222 = arith.constant 0 : index
    %swap3A_223 = vector.load %arg21[%swap3A_220, %swap3A_221, %swap3A_222] : memref<1x64x64xf32, #tpu.memory_space<vmem>>, vector<1x64x64xf32>
    %swap3A_224 = vector.shape_cast %swap3A_223 : vector<1x64x64xf32> to vector<64x64xf32>
    %swap3A_225 = vector.shape_cast %add3A_219 : vector<64x64xf32> to vector<1x64x64xf32>
    tpu.vector_store %arg21[%swap3A_220, %swap3A_221, %swap3A_222], %swap3A_225 {strides = array<i32>} : memref<1x64x64xf32, #tpu.memory_space<vmem>>, vector<1x64x64xf32>,
    %get3A_226 = arith.constant 0 : index
    %get3A_227 = arith.constant 0 : index
    %get3A_228 = vector.load %arg20[%get3A_226, %get3A_227] : memref<129x258xf32, #tpu.memory_space<vmem>>, vector<64x258xf32>
    %dot_general3A_229 = arith.constant dense<0.000000e+00> : vector<64x258xf32>
    %dot_general3A_230 = tpu.matmul %add3A_219, %get3A_228, %dot_general3A_229 {dimension_numbers = #tpu.dot_dimension_numbers<[1], [0], [0], [1], [0, 0, 1, 1], [], []>, transpose_lhs_hint = false} : vector<64x64xf32>, vector<64x258xf32>, vector<64x258xf32> -> vector<64x258xf32>
    %convert_element_type3A_231 = arith.truncf %dot_general3A_230 : vector<64x258xf32> to vector<64x258xbf16>
    %swap3A_232 = arith.constant 0 : index
    %swap3A_233 = arith.constant 0 : index
    %swap3A_234 = arith.constant 0 : index
    %swap3A_235 = vector.load %arg23[%swap3A_232, %swap3A_233, %swap3A_234] : memref<1x64x258xbf16, #tpu.memory_space<vmem>>, vector<1x64x258xbf16>
    %swap3A_236 = vector.shape_cast %swap3A_235 : vector<1x64x258xbf16> to vector<64x258xbf16>
    %swap3A_237 = vector.shape_cast %convert_element_type3A_231 : vector<64x258xbf16> to vector<1x64x258xbf16>
    tpu.vector_store %arg23[%swap3A_232, %swap3A_233, %swap3A_234], %swap3A_237 {strides = array<i32>} : memref<1x64x258xbf16, #tpu.memory_space<vmem>>, vector<1x64x258xbf16>,
    %get3A_238 = arith.constant 64 : index
    %get3A_239 = arith.constant 0 : index
    %get3A_240 = vector.load %arg20[%get3A_238, %get3A_239] : memref<129x258xf32, #tpu.memory_space<vmem>>, vector<64x258xf32>
    %dot_general3A_241 = arith.constant dense<0.000000e+00> : vector<64x258xf32>
    %dot_general3A_242 = tpu.matmul %add3A_219, %get3A_240, %dot_general3A_241 {dimension_numbers = #tpu.dot_dimension_numbers<[1], [0], [0], [1], [0, 0, 1, 1], [], []>, transpose_lhs_hint = false} : vector<64x64xf32>, vector<64x258xf32>, vector<64x258xf32> -> vector<64x258xf32>
    %convert_element_type3A_243 = arith.truncf %dot_general3A_242 : vector<64x258xf32> to vector<64x258xbf16>
    %swap3A_244 = arith.constant 0 : index
    %swap3A_245 = arith.constant 0 : index
    %swap3A_246 = arith.constant 0 : index
    %swap3A_247 = vector.load %arg24[%swap3A_244, %swap3A_245, %swap3A_246] : memref<1x64x258xbf16, #tpu.memory_space<vmem>>, vector<1x64x258xbf16>
    %swap3A_248 = vector.shape_cast %swap3A_247 : vector<1x64x258xbf16> to vector<64x258xbf16>
    %swap3A_249 = vector.shape_cast %convert_element_type3A_243 : vector<64x258xbf16> to vector<1x64x258xbf16>
    tpu.vector_store %arg24[%swap3A_244, %swap3A_245, %swap3A_246], %swap3A_249 {strides = array<i32>} : memref<1x64x258xbf16, #tpu.memory_space<vmem>>, vector<1x64x258xbf16>,
    return
  }
  func.func @transform_0(%arg0: i32, %arg1: i32) -> (i32, i32, i32) {
    %c0_i32 = arith.constant 0 : i32
    %c0_i32_0 = arith.constant 0 : i32
    %c0_i32_1 = arith.constant 0 : i32
    return %arg0, %c0_i32, %c0_i32_0 : i32, i32, i32
  }
  func.func @transform_1(%arg0: i32, %arg1: i32) -> (i32, i32, i32) {
    %c0_i32 = arith.constant 0 : i32
    %c0_i32_0 = arith.constant 0 : i32
    %c0_i32_1 = arith.constant 0 : i32
    return %arg0, %c0_i32, %c0_i32_0 : i32, i32, i32
  }
  func.func @transform_2(%arg0: i32, %arg1: i32) -> (i32, i32, i32) {
    %c0_i32 = arith.constant 0 : i32
    %c0_i32_0 = arith.constant 0 : i32
    %c0_i32_1 = arith.constant 0 : i32
    return %arg0, %c0_i32, %c0_i32_0 : i32, i32, i32
  }
  func.func @transform_3(%arg0: i32, %arg1: i32) -> (i32, i32, i32) {
    %c0_i32 = arith.constant 0 : i32
    %c0_i32_0 = arith.constant 0 : i32
    %c0_i32_1 = arith.constant 0 : i32
    return %arg0, %c0_i32, %c0_i32_0 : i32, i32, i32
  }
  func.func @transform_4(%arg0: i32, %arg1: i32) -> (i32, i32) {
    %c0_i32 = arith.constant 0 : i32
    %c0_i32_0 = arith.constant 0 : i32
    %c0_i32_1 = arith.constant 0 : i32
    return %c0_i32, %c0_i32_0 : i32, i32
  }
  func.func @transform_5(%arg0: i32, %arg1: i32) -> (i32, i32) {
    %c0_i32 = arith.constant 0 : i32
    %c0_i32_0 = arith.constant 0 : i32
    %c0_i32_1 = arith.constant 0 : i32
    return %c0_i32, %c0_i32_0 : i32, i32
  }
  func.func @transform_6(%arg0: i32, %arg1: i32) -> (i32, i32) {
    %c0_i32 = arith.constant 0 : i32
    %c0_i32_0 = arith.constant 0 : i32
    %c0_i32_1 = arith.constant 0 : i32
    return %c0_i32, %c0_i32_0 : i32, i32
  }
  func.func @transform_7(%arg0: i32, %arg1: i32) -> (i32, i32) {
    %c0_i32 = arith.constant 0 : i32
    %c0_i32_0 = arith.constant 0 : i32
    %c0_i32_1 = arith.constant 0 : i32
    return %c0_i32, %c0_i32_0 : i32, i32
  }
  func.func @transform_8(%arg0: i32, %arg1: i32) -> (i32, i32) {
    %c0_i32 = arith.constant 0 : i32
    %c0_i32_0 = arith.constant 0 : i32
    %c0_i32_1 = arith.constant 0 : i32
    return %c0_i32, %c0_i32_0 : i32, i32
  }
  func.func @transform_9(%arg0: i32, %arg1: i32) -> (i32, i32) {
    %c0_i32 = arith.constant 0 : i32
    %c0_i32_0 = arith.constant 0 : i32
    %c0_i32_1 = arith.constant 0 : i32
    return %c0_i32, %c0_i32_0 : i32, i32
  }
  func.func @transform_10(%arg0: i32, %arg1: i32) -> (i32, i32) {
    %c0_i32 = arith.constant 0 : i32
    %c0_i32_0 = arith.constant 0 : i32
    %c0_i32_1 = arith.constant 0 : i32
    return %c0_i32, %c0_i32_0 : i32, i32
  }
  func.func @transform_11(%arg0: i32, %arg1: i32) -> (i32, i32) {
    %c0_i32 = arith.constant 0 : i32
    %c0_i32_0 = arith.constant 0 : i32
    %c0_i32_1 = arith.constant 0 : i32
    return %c0_i32, %c0_i32_0 : i32, i32
  }
  func.func @transform_12(%arg0: i32, %arg1: i32) -> (i32, i32) {
    %c0_i32 = arith.constant 0 : i32
    %c0_i32_0 = arith.constant 0 : i32
    %c0_i32_1 = arith.constant 0 : i32
    return %c0_i32, %c0_i32_0 : i32, i32
  }
  func.func @transform_13(%arg0: i32, %arg1: i32) -> (i32, i32) {
    %c0_i32 = arith.constant 0 : i32
    %c0_i32_0 = arith.constant 0 : i32
    %c0_i32_1 = arith.constant 0 : i32
    return %c0_i32, %c0_i32_0 : i32, i32
  }
  func.func @transform_14(%arg0: i32, %arg1: i32) -> (i32, i32) {
    %c0_i32 = arith.constant 0 : i32
    %c0_i32_0 = arith.constant 0 : i32
    %c0_i32_1 = arith.constant 0 : i32
    return %c0_i32, %c0_i32_0 : i32, i32
  }
  func.func @transform_15(%arg0: i32, %arg1: i32) -> (i32, i32) {
    %c0_i32 = arith.constant 0 : i32
    %c0_i32_0 = arith.constant 0 : i32
    %c0_i32_1 = arith.constant 0 : i32
    return %c0_i32, %c0_i32_0 : i32, i32
  }
  func.func @transform_16(%arg0: i32, %arg1: i32) -> (i32, i32) {
    %c0_i32 = arith.constant 0 : i32
    %c0_i32_0 = arith.constant 0 : i32
    %c0_i32_1 = arith.constant 0 : i32
    return %c0_i32, %c0_i32_0 : i32, i32
  }
  func.func @transform_17(%arg0: i32, %arg1: i32) -> (i32, i32) {
    %c0_i32 = arith.constant 0 : i32
    %c0_i32_0 = arith.constant 0 : i32
    %c0_i32_1 = arith.constant 0 : i32
    return %c0_i32, %c0_i32_0 : i32, i32
  }
  func.func @transform_18(%arg0: i32, %arg1: i32) -> (i32, i32) {
    %c0_i32 = arith.constant 0 : i32
    %c0_i32_0 = arith.constant 0 : i32
    %c0_i32_1 = arith.constant 0 : i32
    return %c0_i32, %c0_i32_0 : i32, i32
  }
  func.func @transform_19(%arg0: i32, %arg1: i32) -> (i32, i32, i32) {
    %c0_i32 = arith.constant 0 : i32
    %c0_i32_0 = arith.constant 0 : i32
    return %arg0, %arg1, %c0_i32 : i32, i32, i32
  }
  func.func @transform_20(%arg0: i32, %arg1: i32) -> (i32, i32, i32) {
    %c0_i32 = arith.constant 0 : i32
    %c0_i32_0 = arith.constant 0 : i32
    return %arg0, %arg1, %c0_i32 : i32, i32, i32
  }
  func.func @transform_21(%arg0: i32, %arg1: i32) -> (i32, i32, i32) {
    %c0_i32 = arith.constant 0 : i32
    %c0_i32_0 = arith.constant 0 : i32
    return %arg0, %arg1, %c0_i32 : i32, i32, i32
  }
  func.func @transform_22(%arg0: i32, %arg1: i32) -> (i32, i32, i32) {
    %c0_i32 = arith.constant 0 : i32
    %c0_i32_0 = arith.constant 0 : i32
    return %arg0, %arg1, %c0_i32 : i32, i32, i32
  }
}

</mosaic_0001>

<sc_bundles>
// kernel: kernel.6.cloned.1.call-start
scs
__scs_entry_jumppad:
0x0: {  	(pc) =	sbr.rel $0x88, $3  }
0x1: {  	(tag) =	ssettag $0x0;
	lr =	simm.s32 $0x1  }
0x2: {  	[smem:$0x3F79] =	sst lr;
	_ =	strace $0xD0000000  }
0x3: {  	_ = 	snop  }
0x4: {  	_ = 	snop  }
0x5: {  	_ = 	snop  }
0x6: {  	_ = 	snop  }
0x7: {  	_ = 	snop  }
__scs_overlays_trampoline_lowered:
0x8: {  	[smem:$0x3F88] =	sst s0  }
0x9: {  	[smem:$0x3F89] =	sst s1  }
0xa: {  	[smem:$0x3F8A] =	sst s2  }
0xb: {  	[smem:$0x3F8B] =	sst s3  }
0xc: {  	[smem:$0x3F8C] =	sst s4  }
0xd: {  	[smem:$0x3F8D] =	sst s5  }
0xe: {  	[smem:$0x3F8E] =	sst s6  }
0xf: {  	[smem:$0x3F8F] =	sst s7  }
0x10: {  	[smem:$0x3F90] =	sst s8  }
0x11: {  	[smem:$0x3F91] =	sst s9;
	s0 =	simm.s32 @!p0 $0x0  }
0x12: {  	s1 =	sld [smem:$0x3F77];
	s0 =	simm.s32 @p0 $0x1  }
0x13: {  	[smem:$0x3F92] =	sst s0;
	s0 =	simm.s32 @!p1 $0x0  }
0x14: {  	s2 =	sld [smem:$0x3F76];
	s0 =	simm.s32 @p1 $0x1  }
0x15: {  	[smem:$0x3F93] =	sst s0;
	s0 =	simm.s32 @!p2 $0x0  }
0x16: {  	s3 =	sld [smem:$0x3FDB];
	s0 =	simm.s32 @p2 $0x1  }
0x17: {  	s4 =	simm.s32 $0x1BF5;
	[smem:$0x3F95] =	sst s0  }
0x18: {  	s0 =	sld [smem:$0x3F78];
	_ =	swait.ge [sflag:s4], $0x0  }
0x19: {  	s7 =	sld [smem:$0x3F79]  }
0x1a: {  	s8 =	sadd.s32 $0xFFFFE003, lr  }
0x1b: {  	s9 =	sadd.s32 $0xFFFFFEF7, lr;
	s5 =	simm.s32 $0xFFFFFFFF;
	p2 =	slt.u32 s8, $0xFFFFF086  }
0x1c: {  	p1 =	slt.u32 s9, $0xF7A;
	s5 =	simm.s32 @!p2 $0x0  }
0x1d: {  	s5 =	simm.s32 @p1 $0x1;
	p0 =	seq.s32 s7, s2  }
0x1e: {  	s7 =	smul.u32 @!p0 $0xF7A, s2;
	p2 =	seq.s32 @!p0 s5, $0x0  }
0x1f: {  	s9 =	smul.u32 $0xF7A, s1;
	s8 =	simm.s32 @!p0 $0x1BF5;
	p2 =	por !p2, p0  }
0x20: {  	[sflag:s8] =	ssyncset.s32 @!p0 $0xFFFFF086;
	s6 =	sadd.s32 @!p0 s3, s7;
	s7 =	simm.s32 @!p0 $0x108  }
0x21: {  	s3 =	sadd.s32 s3, s9;
	s6 =	sadd.s32 @!p0 $0x88, s6;
	s7 =	simm.s32 @p2 $0x1082  }
0x22: {  	[simem:s7], [sflag:s8] =	dma.local @!p0 [hbm:s6], $0xF7A  }
0x23: {  	s9 =	sor.u32 $0xD0000000, s2;
	s6 =	simm.s32 $0x108;
	_ =	swait.ge @!p0 [sflag:s8], $0x0  }
0x24: {  	s3 =	sadd.s32 $0x88, s3;
	s6 =	simm.s32 @!p1 $0x1082;
	[sflag:s4] =	ssyncset.s32 $0xFFFFF086  }
0x25: {  	[simem:s6], [sflag:s4] =	dma.local [hbm:s3], $0xF7A  }
0x26: {  	[smem:$0x3F79] =	sst s1;
	(tag) =	ssettag s2;
	_ =	strace s9  }
0x27: {  	s1 =	sld [smem:$0x3F89]  }
0x28: {  	s2 =	sld [smem:$0x3F8A]  }
0x29: {  	s4 =	sld [smem:$0x3F8C]  }
0x2a: {  	p0 =	seq.s32 s5, $0x0;
	s5 =	sld [smem:$0x3F8D]  }
0x2b: {  	s6 =	sld [smem:$0x3F8E]  }
0x2c: {  	s7 =	sld [smem:$0x3F8F]  }
0x2d: {  	s3 =	simm.s32 $0x108;
	s8 =	sld [smem:$0x3F90]  }
0x2e: {  	s3 =	simm.s32 @!p0 $0x1082;
	s9 =	sld [smem:$0x3F91]  }
0x2f: {  	lr =	sadd.s32 s0, s3;
	s0 =	sld [smem:$0x3F88]  }
0x30: {  	s3 =	sld [smem:$0x3F8B]  }
0x31: {  	[smem:$0x3F94] =	sst s10  }
0x32: {  	s10 =	sld [smem:$0x3F92];
	_ =	sdelay $0x3  }
0x33: {  	p0 =	seq.s32 s10, $0x1;
	s10 =	sld [smem:$0x3F94];
	_ =	sdelay $0x3  }
0x34: {  	[smem:$0x3F94] =	sst s10  }
0x35: {  	s10 =	sld [smem:$0x3F93];
	_ =	sdelay $0x3  }
0x36: {  	p1 =	seq.s32 s10, $0x1;
	s10 =	sld [smem:$0x3F94];
	_ =	sdelay $0x3  }
0x37: {  	[smem:$0x3F94] =	sst s10  }
0x38: {  	s10 =	sld [smem:$0x3F95]  }
0x39: {  	_ = 	snop;
	(pc) =	sbr.ind lr, $3  }
0x3a: {  	_ = 	snop  }
0x3b: {  	_ = 	snop  }
0x3c: {  	p2 =	seq.s32 s10, $0x1;
	s10 =	sld [smem:$0x3F94]  }
0x3d: {  	_ =	shalt  }
0x3e: {  	_ =	shalt  }
0x3f: {  	_ =	shalt  }
0x40: {  	_ =	shalt  }
0x41: {  	_ =	shalt  }
0x42: {  	_ =	shalt  }
0x43: {  	_ =	shalt  }
0x44: {  	_ =	shalt  }
0x45: {  	_ =	shalt  }
0x46: {  	_ =	shalt  }
0x47: {  	_ =	shalt  }
0x48: {  	_ =	shalt  }
0x49: {  	_ =	shalt  }
0x4a: {  	_ =	shalt  }
0x4b: {  	_ =	shalt  }
0x4c: {  	_ =	shalt  }
0x4d: {  	_ =	shalt  }
0x4e: {  	_ =	shalt  }
0x4f: {  	_ =	shalt  }
0x50: {  	_ =	shalt  }
0x51: {  	_ =	shalt  }
0x52: {  	_ =	shalt  }
0x53: {  	_ =	shalt  }
0x54: {  	_ =	shalt  }
0x55: {  	_ =	shalt  }
0x56: {  	_ =	shalt  }
0x57: {  	_ =	shalt  }
0x58: {  	_ =	shalt  }
0x59: {  	_ =	shalt  }
0x5a: {  	_ =	shalt  }
0x5b: {  	_ =	shalt  }
0x5c: {  	_ =	shalt  }
0x5d: {  	_ =	shalt  }
0x5e: {  	_ =	shalt  }
0x5f: {  	_ =	shalt  }
0x60: {  	_ =	shalt  }
0x61: {  	_ =	shalt  }
0x62: {  	_ =	shalt  }
0x63: {  	_ =	shalt  }
0x64: {  	_ =	shalt  }
0x65: {  	_ =	shalt  }
0x66: {  	_ =	shalt  }
0x67: {  	_ =	shalt  }
0x68: {  	_ =	shalt  }
0x69: {  	_ =	shalt  }
0x6a: {  	_ =	shalt  }
0x6b: {  	_ =	shalt  }
0x6c: {  	_ =	shalt  }
0x6d: {  	_ =	shalt  }
0x6e: {  	_ =	shalt  }
0x6f: {  	_ =	shalt  }
0x70: {  	_ =	shalt  }
0x71: {  	_ =	shalt  }
0x72: {  	_ =	shalt  }
0x73: {  	_ =	shalt  }
0x74: {  	_ =	shalt  }
0x75: {  	_ =	shalt  }
0x76: {  	_ =	shalt  }
0x77: {  	_ =	shalt  }
0x78: {  	_ =	shalt  }
0x79: {  	_ =	shalt  }
0x7a: {  	_ =	shalt  }
0x7b: {  	_ =	shalt  }
0x7c: {  	_ =	shalt  }
0x7d: {  	_ =	shalt  }
0x7e: {  	_ =	shalt  }
0x7f: {  	_ =	shalt  }
0x80: {  	_ =	shalt  }
0x81: {  	_ =	shalt  }
0x82: {  	_ =	shalt  }
0x83: {  	_ =	shalt  }
0x84: {  	_ =	shalt  }
0x85: {  	_ =	shalt  }
0x86: {  	_ =	shalt  }
0x87: {  	_ =	shalt  }
.Lfunc_end0:
.L_simem_size_0:
called_computation_lowered:
.L_overlay_start_0:
0x88: {  	s2 =	sld [smem:$0x3FD9]  }
0x89: {  	s3 =	sld [smem:$0x3FFE];
	_ =	sdelay $0x1  }
0x8a: {  	s1 =	srdreg.scid  }
0x8b: {  	s0 =	sand.u32 $0x1, s1  }
0x8c: {  	s14 =	sshll.u32 s0, $0xA;
	s2 =	sadd.s32 s3, s2  }
0x8d: {  	s2 =	sadd.s32 s2, s14  }
0x8e: {  	[smem:$0x3FA0] =	sst s2  }
0x8f: {  	_ = 	snop  }
0x90: {  	s2 =	sld [smem:$0x3FD0];
	_ =	sdelay $0x2  }
0x91: {  	s15 =	simm.s32 $0xA;
	s4 =	simm.s32 $0x10  }
0x92: {  	[smem:s4], [sflag:s15] =	dma.local [hbm:s2], $0x1  }
0x93: {  	_ =	swait.eq [sflag:s15], $0x1  }
0x94: {  	[sflag:s15] =	ssyncset.done $0x0  }
0x95: {  	s16 =	sld [smem:$0x10];
	[sflag:s15] =	ssyncadd.s32 $0xFFFFFFFF  }
0x96: {  	s17 =	sld [smem:$0x11];
	(tm) =	ssettm $0x1  }
0x97: {  	s18 =	sld [smem:$0x3FFB];
	_ =	sdelay $0x3  }
0x98: {  	_ =	strace s18  }
0x99: {  	s4 =	sld [smem:$0x3FFC];
	_ =	sdelay $0x3  }
0x9a: {  	_ =	strace s4  }
0x9b: {  	s4 =	sld [smem:$0x3FFD];
	_ =	sdelay $0x3  }
0x9c: {  	_ =	strace s4  }
0x9d: {  	_ =	strace $0x8FFFFFFF  }
0x9e: {  	s19 =	sld [smem:$0x3FDB];
	_ =	sdelay $0x1  }
0x9f: {  	s5 =	simm.s32 $_scs_section_size  }
0xa0: {  	s6 =	simm.s32 $_size__tile_overlayer_lowered;
	s7 =	simm.s32 $_tile_overlayer_lowered  }
0xa1: {  	s22 =	simm.s32 $0x1BFF;
	s21 =	sshll.u32 s7, $0x1;
	s4 =	sadd.s32 s5, s19  }
0xa2: {  	s8 =	simm.s32 $0x0;
	s20 =	sshll.u32 s6, $0x1;
	s6 =	sadd.s32 s21, s4  }
0xa3: {  	[timem:s8], [sflag:s22] =	dma.local [hbm:s6], s20  }
0xa4: {  	_ =	swait.ge [sflag:s22], s20  }
0xa5: {  	s5 =	ssub.s32 $0x0, s20;
	[sflag:s22] =	ssyncset.done $0x0  }
0xa6: {  	[sflag:s22] =	ssyncadd.s32 s5;
	_ =	sdelay $0x1  }
0xa7: {  	s23 =	simm.s32 $0x1B8B  }
0xa8: {  	_ =	swait.ge [sflag:s23], $0x1  }
0xa9: {  	[sflag:s23] =	ssyncset.done $0x0  }
0xaa: {  	s25 =	simm.s32 $0x1B8E;
	s24 =	sld [smem:$0x3FFE];
	[sflag:s23] =	ssyncadd.s32 $0xFFFFFFFF  }
0xab: {  	s26 =	simm.s32 $execute0_lowered;
	[smem:$0x3FD2] =	sst s25  }
0xac: {  	s6 =	sshll.u32 s26, $0x1;
	_ =	strace $0x80000046;
	[dreg:$0x1] =	wrdreg $0xFFFFFFFF  }
0xad: {  	s28 =	simm.s32 $_size_execute0_lowered;
	s4 =	sadd.s32 s4, s6;
	[dreg:$0x0] =	wrdreg $0x0  }
0xae: {  	s6 =	sshll.u32 s28, $0x1;
	[dreg:$0x2] =	wrdreg s4  }
0xaf: {  	[dreg:$0x3] =	wrdreg s6  }
0xb0: {  	[dreg:$0x4] =	wrdreg $0xC0  }
0xb1: {  	_ =	task [dreg:s8], $0x5FFFF  }
0xb2: {  	[dreg:$0x1] =	wrdreg $0xFFFFFFFF  }
0xb3: {  	[dreg:$0x0] =	wrdreg $0x60  }
0xb4: {  	[dreg:$0x2] =	wrdreg s16  }
0xb5: {  	[dreg:$0x3] =	wrdreg s17  }
0xb6: {  	[dreg:$0x4] =	wrdreg s24  }
0xb7: {  	[dreg:$0x5] =	wrdreg $0x9  }
0xb8: {  	_ =	task.clear_ibuf [dreg:s8], $0x6FFFF;
	_ =	strace $0x90000046  }
0xb9: {  	s29 =	simm.s32 $0x9;
	_ =	strace $0x80000048  }
0xba: {  	_ =	swait.ge [sflag:s29], $0x1  }
0xbb: {  	[sflag:s29] =	ssyncadd.s32 $0xFFFFFFFF  }
0xbc: {  	_ =	strace $0x90000048  }
0xbd: {  	_ =	sfence  }
0xbe: {  	s30 =	sld [smem:$0x0];
	_ =	sdelay $0x2  }
0xbf: {  	s31 =	sshll.u32 s1, $0xD;
	s1 =	sshrl.u32 s1, $0x2  }
0xc0: {  	s3 =	sand.u32 $0x4000, s31;
	s1 =	sadd.s32 s1, s30  }
0xc1: {  	s0 =	sor.u32 s3, s0;
	s1 =	sshll.u32 s1, $0x11  }
0xc2: {  	s0 =	sor.u32 s1, s0  }
0xc3: {  	s0 =	sadd.s32 $0x8F2B, s0  }
0xc4: {  	[sflag:s0] =	ssyncadd.remote.s32 $0x1  }
0xc5: {  	_ =	sfence.sel $0xFFFF  }
0xc6: {  	[dreg:$0x0] =	wrdreg $0xFFFFFFFF;
	(pc) =	sbr.abs _section_cstart, $3  }
0xc7: {  	[dreg:$0x1] =	wrdreg $0xFFFFFFFF  }
0xc8: {  	_ =	task.clear_ibuf [dreg:s8], $0x2FFFF;
	_ =	strace $0x9FFFFFFF  }
0xc9: {  	(tm) =	ssettm $0x7FFFFFFF  }
tec
execute0_lowered:
.L_overlay_start_1:
0x0: {  	(tag) =	ssettag $0x1  }
0x1: {  	s1 =	rddreg [dreg:$0x0];
	s2 =	srdreg.scid  }
0x2: {  	s4 =	rddreg [dreg:$0x1];
	s0 =	stileid.u32  }
0x3: {  	s9 =	rddreg [dreg:$0x2];
	s3 =	simm.s32 $0x0;
	s6 =	sand.u32 $0x1, s2  }
0x4: {  	s5 =	sshll.u32 s0, $0x5;
	s2 =	rddreg [dreg:$0x3];
	s7 =	sshll.u32 s6, $0x4  }
0x5: {  	s8 =	simm.s32 $0x1;
	[smem:$0x7FF] =	sst s3;
	s10 =	sor.u32 s7, s5  }
0x6: {  	_ =	strace $0x80000047;
	s11 =	ssub.s32 $0x2, s6;
	s5 =	sshrl.u32 s10, $0x3  }
0x7: {  	s6 =	simm.s32 $0x10;
	s5 =	sadd.s32 s4, s5;
	s4 =	simm.s32 $0x2  }
0x8: {  	[tilespmem:s3], [sflag:$0x2] =	stream.linear.gather [hbm4b:s5+s3], $0x10, $0x38;
	[tilespmem:$0x880] =	vst v63  }
0x9: {  	s7 =	simm.s32 $0x80;
	s12 =	sshrl.u32 s11, $0x1;
	_ =	swait.ge [sflag:s4], $0x10  }
0xa: {  	s10 =	sshll.u32 s10, $0x4;
	s31 =	ssub.s32 s11, s12;
	[sflag:s4] =	ssyncset.done $0x0  }
0xb: {  	s9 =	sadd.s32 s10, s9;
	s10 =	smax.u32 s31, $0x1;
	[sflag:s4] =	ssyncadd.s32 $0xFFFFFFF0  }
0xc: {  	[tilespmem:s7], [sflag:$0x1] =	stream.indirect.gather [hbm4b:s1+s6], $0x80, s3, s6, $0xb8;
	[tilespmem:$0x880] =	vst v63  }
0xd: {  	p0 =	sne.s32 s10, $0x1;
	_ =	swait.ge [sflag:s8], $0x800  }
.Ltmp0:
0xe: {  	[sflag:s8] =	ssyncset.done $0x0;
	(pc) =	sbr.rel @!p0 .LBB2_2-.Ltmp0, $4  }
0xf: {  	s9 =	sadd.s32 $0x5800, s9;
	[sflag:s8] =	ssyncadd.s32 $0xFFFFF800  }
0x10: {  	[hbm4b:s9+s3] =	stream.linear.scatter [tilespmem:s7], [sflag:$0x2], $0x800, $0x38;
	[tilespmem:$0x880] =	vst v63  }
0x11: {  	_ =	swait.ge [sflag:s4], $0x800  }
0x12: {  	s10 =	sadd.s32 $0xFFFFFFFF, s10;
	[sflag:s4] =	ssyncset.done $0x0  }
.LBB2_1:
0x13: {  	p0 =	sne.s32 s10, $0x1;
	s10 =	sadd.s32 $0xFFFFFFFF, s10;
	[sflag:s4] =	ssyncadd.s32 $0xFFFFF800  }
0x14: {  	[tilespmem:s3], [sflag:$0x2] =	stream.linear.gather [hbm4b:s5+s3], $0x10, $0x38;
	[tilespmem:$0x880] =	vst v63  }
0x15: {  	_ =	swait.ge [sflag:s4], $0x10  }
0x16: {  	[sflag:s4] =	ssyncset.done $0x0  }
0x17: {  	[sflag:s4] =	ssyncadd.s32 $0xFFFFFFF0  }
0x18: {  	[tilespmem:s7], [sflag:$0x1] =	stream.indirect.gather [hbm4b:s1+s6], $0x80, s3, s6, $0xb8;
	[tilespmem:$0x880] =	vst v63  }
0x19: {  	_ =	swait.ge [sflag:s8], $0x800  }
.Ltmp1:
0x1a: {  	[sflag:s8] =	ssyncset.done $0x0;
	(pc) =	sbr.rel @p0 .LBB2_1-.Ltmp1, $4  }
0x1b: {  	[sflag:s8] =	ssyncadd.s32 $0xFFFFF800  }
0x1c: {  	[hbm4b:s9+s3] =	stream.linear.scatter [tilespmem:s7], [sflag:$0x2], $0x800, $0x38;
	[tilespmem:$0x880] =	vst v63  }
0x1d: {  	_ =	swait.ge [sflag:s4], $0x800  }
0x1e: {  	[sflag:s4] =	ssyncset.done $0x0  }
.LBB2_2:
0x1f: {  	[sflag:s4] =	ssyncadd.s32 $0xFFFFF800  }
0x20: {  	_ =	sfence.sel $0x180000  }
0x21: {  	[bflag:$0x0] =	sbarrier.arrive $0xFFFF  }
0x22: {  	p0 =	sne.s32 s0, $0x0;
	_ =	strace $0x90000047  }
0x23: {  	s0 =	sadd.s32 @!p0 $0x100000, s2;
	[bflag:$0x2] =	sbarrier.arrive $0xFFFF  }
0x24: {  	[sflag:s0] =	ssyncadd.tile.s32 @!p0 $0x1;
	_ =	shalt  }
.Lfunc_end2:
_tile_overlayer_lowered:
.L_overlay_start_2:
0x25: {  	(tag) =	ssettag $0x2  }
0x26: {  	s0 =	rddreg [dreg:$0x0];
	s2 =	stileid.u32  }
0x27: {  	s1 =	rddreg [dreg:$0x1];
	p0 =	sne.s32 s2, $0x0  }
0x28: {  	s3 =	rddreg [dreg:$0x2];
	[bflag:$0x3] =	sbarrier.arrive $0xFFFF;
	s2 =	simm.s32 @!p0 $0x1C02  }
0x29: {  	[timem:s3], [sflag:s2] =	dma.local @!p0 [hbm:s0], s1  }
0x2a: {  	s0 =	simm.s32 @!p0 $0x2  }
0x2b: {  	_ =	swait.ge @!p0 [sflag:s0], s1  }
0x2c: {  	s1 =	ssub.s32 @!p0 $0x0, s1;
	[sflag:s0] =	ssyncset.done @!p0 $0x0  }
0x2d: {  	[sflag:s0] =	ssyncadd.s32 @!p0 s1  }
0x2e: {  	[bflag:$0x3] =	sbarrier.arrive $0xFFFF  }
0x2f: {  	_ =	shalt  }

</sc_bundles>
